<compile_context>
chip_gen: v7x
topology: tpu7x:2x2x1
jax: 0.10.2.dev20260603
libtpu: 0.0.44.dev20260713+nightly
codegen_flags: <defaults>
</compile_context>

<pallas_src>
import functools

import jax
import jax.numpy as jnp
from jax import lax
from jax.experimental import pallas as pl
from jax.experimental.pallas import tpu as pltpu
from jax.experimental.pallas import tpu_sc as plsc

B, S, V, D = 4, 8192, 100000, 128
N_TOKENS = B * S
K_QUOTA = max(1, int(0.25 * N_TOKENS))


VB = 25088
V_PAD = ((V + VB - 1) // VB) * VB


def _scores_body(tbl_ref, w_ref, out_ref):
    out_ref[...] = lax.dot_general(
        w_ref[...], tbl_ref[...], (((1,), (1,)), ((), ())),
        preferred_element_type=jnp.float32)


def _vocab_scores(table, w):
    grid = V_PAD // VB
    return pl.pallas_call(
        _scores_body,
        grid=(grid,),
        in_specs=[
            pl.BlockSpec((VB, D), lambda i: (i, 0)),
            pl.BlockSpec((1, D), lambda i: (0, 0)),
        ],
        out_specs=pl.BlockSpec((1, VB), lambda i: (0, i)),
        out_shape=jax.ShapeDtypeStruct((1, V_PAD), jnp.float32),
    )(table, w.reshape(1, D)).reshape(-1)



_NC, _NS = 2, 16
_NW = _NC * _NS
_N_PER_W = N_TOKENS // _NW
_CHUNK = 128
_N_CHUNKS = _N_PER_W // _CHUNK


def _gather_body(scores_hbm, idx_hbm, out_hbm, idx_v, val_v, sem):
    wid = lax.axis_index("s") * _NC + lax.axis_index("c")
    base = wid * _N_PER_W
    pltpu.sync_copy(idx_hbm.at[pl.ds(base, _N_PER_W)], idx_v)
    copies = []
    for j in range(_N_CHUNKS):
        c = pltpu.make_async_copy(
            scores_hbm.at[idx_v.at[pl.ds(j * _CHUNK, _CHUNK)]],
            val_v.at[pl.ds(j * _CHUNK, _CHUNK)],
            sem,
        )
        c.start()
        copies.append(c)
    for c in copies:
        c.wait()
    pltpu.sync_copy(val_v, out_hbm.at[pl.ds(base, _N_PER_W)])


def _gather_scores(scores, idx_flat):
    mesh = plsc.VectorSubcoreMesh(core_axis_name="c", subcore_axis_name="s")
    kern = functools.partial(
        pl.kernel,
        mesh=mesh,
        out_type=jax.ShapeDtypeStruct((N_TOKENS,), jnp.float32),
        scratch_types=[
            pltpu.VMEM((_N_PER_W,), jnp.int32),
            pltpu.VMEM((_N_PER_W,), jnp.float32),
            pltpu.SemaphoreType.DMA,
        ],
    )(_gather_body)
    return kern(scores, idx_flat)




def _select_body(lg_ref, b_ref, d_ref, mask_ref):
    d = jax.nn.sigmoid(lg_ref[...] + b_ref[0])
    d_ref[...] = d
    keys = lax.bitcast_convert_type(d, jnp.int32)
    t = jnp.int32(0)
    for shift in range(28, -1, -2):
        digit = jnp.int32(0)
        for m in range(1, 4):
            cand = t | jnp.int32(m << shift)
            cnt = jnp.sum((keys >= cand).astype(jnp.int32))
            digit = digit + (cnt >= K_QUOTA).astype(jnp.int32)
        t = t | (digit << shift)
    mask_ref[...] = keys >= t


def _sigmoid_quota_mask(logits, b):
    return pl.pallas_call(
        _select_body,
        in_specs=[
            pl.BlockSpec((B, S), lambda: (0, 0)),
            pl.BlockSpec(memory_space=pltpu.SMEM),
        ],
        out_specs=[
            pl.BlockSpec((B, S), lambda: (0, 0)),
            pl.BlockSpec((B, S), lambda: (0, 0)),
        ],
        out_shape=[
            jax.ShapeDtypeStruct((B, S), jnp.float32),
            jax.ShapeDtypeStruct((B, S), jnp.bool_),
        ],
    )(logits, b.reshape(1))




def kernel(input_ids, table, w, b):
    scores = _vocab_scores(table, w)
    logits = _gather_scores(scores, input_ids.reshape(-1)).reshape(B, S)
    difficulty, mask = _sigmoid_quota_mask(logits, b)
    info_k = jnp.array(K_QUOTA, dtype=jnp.int32)
    return difficulty, mask, info_k

# --- scband reference (transcript-rebuilt; emitter-appended) ---
"""Pipeline reference for scband-async-cggrscorer-62285615726953 (READ-ONLY COPY).

The authoritative reference and input builder live on the scoring server;
editing this copy changes nothing except your own understanding.
"""

import jax, jax.numpy as jnp
import numpy as np

B, S, V, D = 4, 8192, 100000, 128
MIN_TOKENS_RATIO = 0.25


def setup_inputs(seed: int = 0) -> dict:
    key = jax.random.key(seed)
    k1, k2, k3 = jax.random.split(key, 3)
    input_ids = jax.random.randint(k1, (B, S), 0, V, dtype=jnp.int32)
    # Router parameters (lightweight difficulty scorer: embedding + linear head)
    table = jax.random.normal(k2, (V, D), dtype=jnp.float32) * 0.02
    w = jax.random.normal(k3, (D,), dtype=jnp.float32) * 0.02
    b = jnp.zeros((), dtype=jnp.float32)
    return {"input_ids": input_ids, "table": table, "w": w, "b": b}


def reference(input_ids, table, w, b):
    # Router: per-token difficulty score (embedding gather -> linear -> sigmoid)
    h = jnp.take(table, input_ids, axis=0)              # [B, S, D] gather (memory-bound)
    logits = jnp.einsum('bsd,d->bs', h, w) + b          # [B, S]
    difficulty = jax.nn.sigmoid(logits)                 # [B, S]

    # fixed_quota selection: keep top min_tokens_ratio fraction of all tokens
    n_tokens = B * S
    k = max(1, int(MIN_TOKENS_RATIO * n_tokens))
    flat = difficulty.reshape(-1)
    top_vals, _ = jax.lax.top_k(flat, k)
    thresh = top_vals[-1]
    mask = difficulty >= thresh                         # [B, S] bool

    info_k = jnp.array(k, dtype=jnp.int32)
    return difficulty, mask, info_k

if __name__ == "__main__":
    import jax
    _d = setup_inputs()
    print(jax.jit(kernel)(*tuple(_d.values())))

</pallas_src>

<mosaic_0001>
#map = affine_map<(d0, d1) -> (0)>
module attributes {stable_mosaic.version = 14 : i64} {
  func.func @_gather_body(%arg0: i32, %arg1: i32, %arg2: memref<100352xf32, #tpu.memory_space<hbm>>, %arg3: memref<32768xi32, #tpu.memory_space<hbm>>, %arg4: memref<32768xf32, #tpu.memory_space<hbm>>, %arg5: memref<1024xi32, #tpu.memory_space<vmem>>, %arg6: memref<1024xf32, #tpu.memory_space<vmem>>, %arg7: memref<!tpu.dma_semaphore, #tpu.memory_space<semaphore_mem>>) attributes {dimension_semantics = [#tpu.dimension_semantics<core_parallel>, #tpu.dimension_semantics<subcore_parallel>], iteration_bounds = array<i64: 2, 16>, scalar_prefetch = 0 : i64, scratch_operands = 3 : i64, tpu.core_type = #tpu.core_type<sc_vector_subcore>, window_params = [{transform_indices = #map}, {transform_indices = #map}, {transform_indices = #map}]} {
    %mul3A = arith.constant 2 : i32
    %mul3A_0 = arith.muli %arg1, %mul3A : i32
    %add3A = arith.addi %mul3A_0, %arg0 : i32
    %mul3A_1 = arith.constant 1024 : i32
    %mul3A_2 = arith.muli %add3A, %mul3A_1 : i32
    "tpu.region"() ({
      %run_scoped3A = tpu.sem_alloc : memref<!tpu.dma_semaphore, #tpu.memory_space<semaphore_mem>>
      %dma_start3A_97 = tpu.memref_slice %arg3[%mul3A_2] : memref<32768xi32, #tpu.memory_space<hbm>> -> memref<1024xi32, #tpu.memory_space<hbm>>
      %dma_start3A_98 = tpu.memref_slice %arg3[%mul3A_2] : memref<32768xi32, #tpu.memory_space<hbm>> -> memref<1024xi32, #tpu.memory_space<hbm>>
      tpu.enqueue_dma source(%dma_start3A_98 : memref<1024xi32, #tpu.memory_space<hbm>>) target(%arg5 : memref<1024xi32, #tpu.memory_space<vmem>>) target_semaphore(%run_scoped3A : memref<!tpu.dma_semaphore, #tpu.memory_space<semaphore_mem>>)
      %dma_wait3A_99 = tpu.memref_slice %arg3[%mul3A_2] : memref<32768xi32, #tpu.memory_space<hbm>> -> memref<1024xi32, #tpu.memory_space<hbm>>
      %dma_wait3A_100 = tpu.memref_slice %arg3[%mul3A_2] : memref<32768xi32, #tpu.memory_space<hbm>> -> memref<1024xi32, #tpu.memory_space<hbm>>
      tpu.wait_dma2 semaphore(%run_scoped3A : memref<!tpu.dma_semaphore, #tpu.memory_space<semaphore_mem>>) src(%dma_wait3A_100 : memref<1024xi32, #tpu.memory_space<hbm>>) dst(%arg5 : memref<1024xi32, #tpu.memory_space<vmem>>)
      tpu.yield
    }) : () -> ()
    %dma_start3A = arith.constant 0 : i32
    %dma_start3A_3 = tpu.memref_slice %arg6[%dma_start3A] : memref<1024xf32, #tpu.memory_space<vmem>> -> memref<128xf32, #tpu.memory_space<vmem>>
    %dma_start3A_4 = arith.constant 0 : i32
    %dma_start3A_5 = tpu.memref_slice %arg5[%dma_start3A_4] : memref<1024xi32, #tpu.memory_space<vmem>> -> memref<128xi32, #tpu.memory_space<vmem>>
    %dma_start3A_6 = arith.constant 0 : i32
    %dma_start3A_7 = tpu.memref_slice %arg2[%dma_start3A_6] : memref<100352xf32, #tpu.memory_space<hbm>> -> memref<100352xf32, #tpu.memory_space<hbm>>
    tpu.enqueue_indirect_dma source(%dma_start3A_7 : memref<100352xf32, #tpu.memory_space<hbm>>) target(%dma_start3A_3 : memref<128xf32, #tpu.memory_space<vmem>>) offsets(%dma_start3A_5 : memref<128xi32, #tpu.memory_space<vmem>>) semaphore(%arg7 : memref<!tpu.dma_semaphore, #tpu.memory_space<semaphore_mem>>)
    %dma_start3A_8 = arith.constant 128 : i32
    %dma_start3A_9 = tpu.memref_slice %arg6[%dma_start3A_8] : memref<1024xf32, #tpu.memory_space<vmem>> -> memref<128xf32, #tpu.memory_space<vmem>>
    %dma_start3A_10 = arith.constant 128 : i32
    %dma_start3A_11 = tpu.memref_slice %arg5[%dma_start3A_10] : memref<1024xi32, #tpu.memory_space<vmem>> -> memref<128xi32, #tpu.memory_space<vmem>>
    %dma_start3A_12 = arith.constant 0 : i32
    %dma_start3A_13 = tpu.memref_slice %arg2[%dma_start3A_12] : memref<100352xf32, #tpu.memory_space<hbm>> -> memref<100352xf32, #tpu.memory_space<hbm>>
    tpu.enqueue_indirect_dma source(%dma_start3A_13 : memref<100352xf32, #tpu.memory_space<hbm>>) target(%dma_start3A_9 : memref<128xf32, #tpu.memory_space<vmem>>) offsets(%dma_start3A_11 : memref<128xi32, #tpu.memory_space<vmem>>) semaphore(%arg7 : memref<!tpu.dma_semaphore, #tpu.memory_space<semaphore_mem>>)
    %dma_start3A_14 = arith.constant 256 : i32
    %dma_start3A_15 = tpu.memref_slice %arg6[%dma_start3A_14] : memref<1024xf32, #tpu.memory_space<vmem>> -> memref<128xf32, #tpu.memory_space<vmem>>
    %dma_start3A_16 = arith.constant 256 : i32
    %dma_start3A_17 = tpu.memref_slice %arg5[%dma_start3A_16] : memref<1024xi32, #tpu.memory_space<vmem>> -> memref<128xi32, #tpu.memory_space<vmem>>
    %dma_start3A_18 = arith.constant 0 : i32
    %dma_start3A_19 = tpu.memref_slice %arg2[%dma_start3A_18] : memref<100352xf32, #tpu.memory_space<hbm>> -> memref<100352xf32, #tpu.memory_space<hbm>>
    tpu.enqueue_indirect_dma source(%dma_start3A_19 : memref<100352xf32, #tpu.memory_space<hbm>>) target(%dma_start3A_15 : memref<128xf32, #tpu.memory_space<vmem>>) offsets(%dma_start3A_17 : memref<128xi32, #tpu.memory_space<vmem>>) semaphore(%arg7 : memref<!tpu.dma_semaphore, #tpu.memory_space<semaphore_mem>>)
    %dma_start3A_20 = arith.constant 384 : i32
    %dma_start3A_21 = tpu.memref_slice %arg6[%dma_start3A_20] : memref<1024xf32, #tpu.memory_space<vmem>> -> memref<128xf32, #tpu.memory_space<vmem>>
    %dma_start3A_22 = arith.constant 384 : i32
    %dma_start3A_23 = tpu.memref_slice %arg5[%dma_start3A_22] : memref<1024xi32, #tpu.memory_space<vmem>> -> memref<128xi32, #tpu.memory_space<vmem>>
    %dma_start3A_24 = arith.constant 0 : i32
    %dma_start3A_25 = tpu.memref_slice %arg2[%dma_start3A_24] : memref<100352xf32, #tpu.memory_space<hbm>> -> memref<100352xf32, #tpu.memory_space<hbm>>
    tpu.enqueue_indirect_dma source(%dma_start3A_25 : memref<100352xf32, #tpu.memory_space<hbm>>) target(%dma_start3A_21 : memref<128xf32, #tpu.memory_space<vmem>>) offsets(%dma_start3A_23 : memref<128xi32, #tpu.memory_space<vmem>>) semaphore(%arg7 : memref<!tpu.dma_semaphore, #tpu.memory_space<semaphore_mem>>)
    %dma_start3A_26 = arith.constant 512 : i32
    %dma_start3A_27 = tpu.memref_slice %arg6[%dma_start3A_26] : memref<1024xf32, #tpu.memory_space<vmem>> -> memref<128xf32, #tpu.memory_space<vmem>>
    %dma_start3A_28 = arith.constant 512 : i32
    %dma_start3A_29 = tpu.memref_slice %arg5[%dma_start3A_28] : memref<1024xi32, #tpu.memory_space<vmem>> -> memref<128xi32, #tpu.memory_space<vmem>>
    %dma_start3A_30 = arith.constant 0 : i32
    %dma_start3A_31 = tpu.memref_slice %arg2[%dma_start3A_30] : memref<100352xf32, #tpu.memory_space<hbm>> -> memref<100352xf32, #tpu.memory_space<hbm>>
    tpu.enqueue_indirect_dma source(%dma_start3A_31 : memref<100352xf32, #tpu.memory_space<hbm>>) target(%dma_start3A_27 : memref<128xf32, #tpu.memory_space<vmem>>) offsets(%dma_start3A_29 : memref<128xi32, #tpu.memory_space<vmem>>) semaphore(%arg7 : memref<!tpu.dma_semaphore, #tpu.memory_space<semaphore_mem>>)
    %dma_start3A_32 = arith.constant 640 : i32
    %dma_start3A_33 = tpu.memref_slice %arg6[%dma_start3A_32] : memref<1024xf32, #tpu.memory_space<vmem>> -> memref<128xf32, #tpu.memory_space<vmem>>
    %dma_start3A_34 = arith.constant 640 : i32
    %dma_start3A_35 = tpu.memref_slice %arg5[%dma_start3A_34] : memref<1024xi32, #tpu.memory_space<vmem>> -> memref<128xi32, #tpu.memory_space<vmem>>
    %dma_start3A_36 = arith.constant 0 : i32
    %dma_start3A_37 = tpu.memref_slice %arg2[%dma_start3A_36] : memref<100352xf32, #tpu.memory_space<hbm>> -> memref<100352xf32, #tpu.memory_space<hbm>>
    tpu.enqueue_indirect_dma source(%dma_start3A_37 : memref<100352xf32, #tpu.memory_space<hbm>>) target(%dma_start3A_33 : memref<128xf32, #tpu.memory_space<vmem>>) offsets(%dma_start3A_35 : memref<128xi32, #tpu.memory_space<vmem>>) semaphore(%arg7 : memref<!tpu.dma_semaphore, #tpu.memory_space<semaphore_mem>>)
    %dma_start3A_38 = arith.constant 768 : i32
    %dma_start3A_39 = tpu.memref_slice %arg6[%dma_start3A_38] : memref<1024xf32, #tpu.memory_space<vmem>> -> memref<128xf32, #tpu.memory_space<vmem>>
    %dma_start3A_40 = arith.constant 768 : i32
    %dma_start3A_41 = tpu.memref_slice %arg5[%dma_start3A_40] : memref<1024xi32, #tpu.memory_space<vmem>> -> memref<128xi32, #tpu.memory_space<vmem>>
    %dma_start3A_42 = arith.constant 0 : i32
    %dma_start3A_43 = tpu.memref_slice %arg2[%dma_start3A_42] : memref<100352xf32, #tpu.memory_space<hbm>> -> memref<100352xf32, #tpu.memory_space<hbm>>
    tpu.enqueue_indirect_dma source(%dma_start3A_43 : memref<100352xf32, #tpu.memory_space<hbm>>) target(%dma_start3A_39 : memref<128xf32, #tpu.memory_space<vmem>>) offsets(%dma_start3A_41 : memref<128xi32, #tpu.memory_space<vmem>>) semaphore(%arg7 : memref<!tpu.dma_semaphore, #tpu.memory_space<semaphore_mem>>)
    %dma_start3A_44 = arith.constant 896 : i32
    %dma_start3A_45 = tpu.memref_slice %arg6[%dma_start3A_44] : memref<1024xf32, #tpu.memory_space<vmem>> -> memref<128xf32, #tpu.memory_space<vmem>>
    %dma_start3A_46 = arith.constant 896 : i32
    %dma_start3A_47 = tpu.memref_slice %arg5[%dma_start3A_46] : memref<1024xi32, #tpu.memory_space<vmem>> -> memref<128xi32, #tpu.memory_space<vmem>>
    %dma_start3A_48 = arith.constant 0 : i32
    %dma_start3A_49 = tpu.memref_slice %arg2[%dma_start3A_48] : memref<100352xf32, #tpu.memory_space<hbm>> -> memref<100352xf32, #tpu.memory_space<hbm>>
    tpu.enqueue_indirect_dma source(%dma_start3A_49 : memref<100352xf32, #tpu.memory_space<hbm>>) target(%dma_start3A_45 : memref<128xf32, #tpu.memory_space<vmem>>) offsets(%dma_start3A_47 : memref<128xi32, #tpu.memory_space<vmem>>) semaphore(%arg7 : memref<!tpu.dma_semaphore, #tpu.memory_space<semaphore_mem>>)
    %dma_wait3A = arith.constant 0 : i32
    %dma_wait3A_50 = tpu.memref_slice %arg6[%dma_wait3A] : memref<1024xf32, #tpu.memory_space<vmem>> -> memref<128xf32, #tpu.memory_space<vmem>>
    %dma_wait3A_51 = arith.constant 0 : i32
    %dma_wait3A_52 = tpu.memref_slice %arg5[%dma_wait3A_51] : memref<1024xi32, #tpu.memory_space<vmem>> -> memref<128xi32, #tpu.memory_space<vmem>>
    %dma_wait3A_53 = arith.constant 0 : i32
    %dma_wait3A_54 = tpu.memref_slice %arg2[%dma_wait3A_53] : memref<100352xf32, #tpu.memory_space<hbm>> -> memref<100352xf32, #tpu.memory_space<hbm>>
    tpu.wait_indirect_dma semaphore(%arg7 : memref<!tpu.dma_semaphore, #tpu.memory_space<semaphore_mem>>) src(%dma_wait3A_54 : memref<100352xf32, #tpu.memory_space<hbm>>) dst(%dma_wait3A_50 : memref<128xf32, #tpu.memory_space<vmem>>)
    %dma_wait3A_55 = arith.constant 128 : i32
    %dma_wait3A_56 = tpu.memref_slice %arg6[%dma_wait3A_55] : memref<1024xf32, #tpu.memory_space<vmem>> -> memref<128xf32, #tpu.memory_space<vmem>>
    %dma_wait3A_57 = arith.constant 128 : i32
    %dma_wait3A_58 = tpu.memref_slice %arg5[%dma_wait3A_57] : memref<1024xi32, #tpu.memory_space<vmem>> -> memref<128xi32, #tpu.memory_space<vmem>>
    %dma_wait3A_59 = arith.constant 0 : i32
    %dma_wait3A_60 = tpu.memref_slice %arg2[%dma_wait3A_59] : memref<100352xf32, #tpu.memory_space<hbm>> -> memref<100352xf32, #tpu.memory_space<hbm>>
    tpu.wait_indirect_dma semaphore(%arg7 : memref<!tpu.dma_semaphore, #tpu.memory_space<semaphore_mem>>) src(%dma_wait3A_60 : memref<100352xf32, #tpu.memory_space<hbm>>) dst(%dma_wait3A_56 : memref<128xf32, #tpu.memory_space<vmem>>)
    %dma_wait3A_61 = arith.constant 256 : i32
    %dma_wait3A_62 = tpu.memref_slice %arg6[%dma_wait3A_61] : memref<1024xf32, #tpu.memory_space<vmem>> -> memref<128xf32, #tpu.memory_space<vmem>>
    %dma_wait3A_63 = arith.constant 256 : i32
    %dma_wait3A_64 = tpu.memref_slice %arg5[%dma_wait3A_63] : memref<1024xi32, #tpu.memory_space<vmem>> -> memref<128xi32, #tpu.memory_space<vmem>>
    %dma_wait3A_65 = arith.constant 0 : i32
    %dma_wait3A_66 = tpu.memref_slice %arg2[%dma_wait3A_65] : memref<100352xf32, #tpu.memory_space<hbm>> -> memref<100352xf32, #tpu.memory_space<hbm>>
    tpu.wait_indirect_dma semaphore(%arg7 : memref<!tpu.dma_semaphore, #tpu.memory_space<semaphore_mem>>) src(%dma_wait3A_66 : memref<100352xf32, #tpu.memory_space<hbm>>) dst(%dma_wait3A_62 : memref<128xf32, #tpu.memory_space<vmem>>)
    %dma_wait3A_67 = arith.constant 384 : i32
    %dma_wait3A_68 = tpu.memref_slice %arg6[%dma_wait3A_67] : memref<1024xf32, #tpu.memory_space<vmem>> -> memref<128xf32, #tpu.memory_space<vmem>>
    %dma_wait3A_69 = arith.constant 384 : i32
    %dma_wait3A_70 = tpu.memref_slice %arg5[%dma_wait3A_69] : memref<1024xi32, #tpu.memory_space<vmem>> -> memref<128xi32, #tpu.memory_space<vmem>>
    %dma_wait3A_71 = arith.constant 0 : i32
    %dma_wait3A_72 = tpu.memref_slice %arg2[%dma_wait3A_71] : memref<100352xf32, #tpu.memory_space<hbm>> -> memref<100352xf32, #tpu.memory_space<hbm>>
    tpu.wait_indirect_dma semaphore(%arg7 : memref<!tpu.dma_semaphore, #tpu.memory_space<semaphore_mem>>) src(%dma_wait3A_72 : memref<100352xf32, #tpu.memory_space<hbm>>) dst(%dma_wait3A_68 : memref<128xf32, #tpu.memory_space<vmem>>)
    %dma_wait3A_73 = arith.constant 512 : i32
    %dma_wait3A_74 = tpu.memref_slice %arg6[%dma_wait3A_73] : memref<1024xf32, #tpu.memory_space<vmem>> -> memref<128xf32, #tpu.memory_space<vmem>>
    %dma_wait3A_75 = arith.constant 512 : i32
    %dma_wait3A_76 = tpu.memref_slice %arg5[%dma_wait3A_75] : memref<1024xi32, #tpu.memory_space<vmem>> -> memref<128xi32, #tpu.memory_space<vmem>>
    %dma_wait3A_77 = arith.constant 0 : i32
    %dma_wait3A_78 = tpu.memref_slice %arg2[%dma_wait3A_77] : memref<100352xf32, #tpu.memory_space<hbm>> -> memref<100352xf32, #tpu.memory_space<hbm>>
    tpu.wait_indirect_dma semaphore(%arg7 : memref<!tpu.dma_semaphore, #tpu.memory_space<semaphore_mem>>) src(%dma_wait3A_78 : memref<100352xf32, #tpu.memory_space<hbm>>) dst(%dma_wait3A_74 : memref<128xf32, #tpu.memory_space<vmem>>)
    %dma_wait3A_79 = arith.constant 640 : i32
    %dma_wait3A_80 = tpu.memref_slice %arg6[%dma_wait3A_79] : memref<1024xf32, #tpu.memory_space<vmem>> -> memref<128xf32, #tpu.memory_space<vmem>>
    %dma_wait3A_81 = arith.constant 640 : i32
    %dma_wait3A_82 = tpu.memref_slice %arg5[%dma_wait3A_81] : memref<1024xi32, #tpu.memory_space<vmem>> -> memref<128xi32, #tpu.memory_space<vmem>>
    %dma_wait3A_83 = arith.constant 0 : i32
    %dma_wait3A_84 = tpu.memref_slice %arg2[%dma_wait3A_83] : memref<100352xf32, #tpu.memory_space<hbm>> -> memref<100352xf32, #tpu.memory_space<hbm>>
    tpu.wait_indirect_dma semaphore(%arg7 : memref<!tpu.dma_semaphore, #tpu.memory_space<semaphore_mem>>) src(%dma_wait3A_84 : memref<100352xf32, #tpu.memory_space<hbm>>) dst(%dma_wait3A_80 : memref<128xf32, #tpu.memory_space<vmem>>)
    %dma_wait3A_85 = arith.constant 768 : i32
    %dma_wait3A_86 = tpu.memref_slice %arg6[%dma_wait3A_85] : memref<1024xf32, #tpu.memory_space<vmem>> -> memref<128xf32, #tpu.memory_space<vmem>>
    %dma_wait3A_87 = arith.constant 768 : i32
    %dma_wait3A_88 = tpu.memref_slice %arg5[%dma_wait3A_87] : memref<1024xi32, #tpu.memory_space<vmem>> -> memref<128xi32, #tpu.memory_space<vmem>>
    %dma_wait3A_89 = arith.constant 0 : i32
    %dma_wait3A_90 = tpu.memref_slice %arg2[%dma_wait3A_89] : memref<100352xf32, #tpu.memory_space<hbm>> -> memref<100352xf32, #tpu.memory_space<hbm>>
    tpu.wait_indirect_dma semaphore(%arg7 : memref<!tpu.dma_semaphore, #tpu.memory_space<semaphore_mem>>) src(%dma_wait3A_90 : memref<100352xf32, #tpu.memory_space<hbm>>) dst(%dma_wait3A_86 : memref<128xf32, #tpu.memory_space<vmem>>)
    %dma_wait3A_91 = arith.constant 896 : i32
    %dma_wait3A_92 = tpu.memref_slice %arg6[%dma_wait3A_91] : memref<1024xf32, #tpu.memory_space<vmem>> -> memref<128xf32, #tpu.memory_space<vmem>>
    %dma_wait3A_93 = arith.constant 896 : i32
    %dma_wait3A_94 = tpu.memref_slice %arg5[%dma_wait3A_93] : memref<1024xi32, #tpu.memory_space<vmem>> -> memref<128xi32, #tpu.memory_space<vmem>>
    %dma_wait3A_95 = arith.constant 0 : i32
    %dma_wait3A_96 = tpu.memref_slice %arg2[%dma_wait3A_95] : memref<100352xf32, #tpu.memory_space<hbm>> -> memref<100352xf32, #tpu.memory_space<hbm>>
    tpu.wait_indirect_dma semaphore(%arg7 : memref<!tpu.dma_semaphore, #tpu.memory_space<semaphore_mem>>) src(%dma_wait3A_96 : memref<100352xf32, #tpu.memory_space<hbm>>) dst(%dma_wait3A_92 : memref<128xf32, #tpu.memory_space<vmem>>)
    "tpu.region"() ({
      %run_scoped3A = tpu.sem_alloc : memref<!tpu.dma_semaphore, #tpu.memory_space<semaphore_mem>>
      %dma_start3A_97 = tpu.memref_slice %arg4[%mul3A_2] : memref<32768xf32, #tpu.memory_space<hbm>> -> memref<1024xf32, #tpu.memory_space<hbm>>
      %dma_start3A_98 = tpu.memref_slice %arg4[%mul3A_2] : memref<32768xf32, #tpu.memory_space<hbm>> -> memref<1024xf32, #tpu.memory_space<hbm>>
      tpu.enqueue_dma source(%arg6 : memref<1024xf32, #tpu.memory_space<vmem>>) target(%dma_start3A_98 : memref<1024xf32, #tpu.memory_space<hbm>>) target_semaphore(%run_scoped3A : memref<!tpu.dma_semaphore, #tpu.memory_space<semaphore_mem>>)
      %dma_wait3A_99 = tpu.memref_slice %arg4[%mul3A_2] : memref<32768xf32, #tpu.memory_space<hbm>> -> memref<1024xf32, #tpu.memory_space<hbm>>
      %dma_wait3A_100 = tpu.memref_slice %arg4[%mul3A_2] : memref<32768xf32, #tpu.memory_space<hbm>> -> memref<1024xf32, #tpu.memory_space<hbm>>
      tpu.wait_dma2 semaphore(%run_scoped3A : memref<!tpu.dma_semaphore, #tpu.memory_space<semaphore_mem>>) src(%arg6 : memref<1024xf32, #tpu.memory_space<vmem>>) dst(%dma_wait3A_100 : memref<1024xf32, #tpu.memory_space<hbm>>)
      tpu.yield
    }) : () -> ()
    return
  }
}

module attributes {stable_mosaic.version = 14 : i64} {
  func.func @_scores_body(%arg0: i32, %arg1: memref<25088x128xf32, #tpu.memory_space<vmem>>, %arg2: memref<1x128xf32, #tpu.memory_space<vmem>>, %arg3: memref<1x25088xf32, #tpu.memory_space<vmem>>) attributes {dimension_semantics = [#tpu.dimension_semantics<arbitrary>], iteration_bounds = array<i64: 4>, scalar_prefetch = 0 : i64, scratch_operands = 0 : i64, tpu.core_type = #tpu.core_type<tc>, window_params = [{transform_indices = @transform_0, window_bounds = array<i64: 25088, 128>}, {pipeline_mode = #tpu.pipeline_mode<synchronous>, transform_indices = @transform_1, window_bounds = array<i64: 1, 128>}, {transform_indices = @transform_2, window_bounds = array<i64: 1, 25088>}]} {
    %get3A = arith.constant 0 : index
    %get3A_0 = arith.constant 0 : index
    %get3A_1 = vector.load %arg2[%get3A, %get3A_0] : memref<1x128xf32, #tpu.memory_space<vmem>>, vector<1x128xf32>
    %get3A_2 = arith.constant 0 : index
    %get3A_3 = arith.constant 0 : index
    %get3A_4 = vector.load %arg1[%get3A_2, %get3A_3] : memref<25088x128xf32, #tpu.memory_space<vmem>>, vector<25088x128xf32>
    %dot_general3A = arith.constant dense<0.000000e+00> : vector<1x25088xf32>
    %dot_general3A_5 = tpu.matmul %get3A_1, %get3A_4, %dot_general3A {dimension_numbers = #tpu.dot_dimension_numbers<[1], [1], [0], [0], [0, 0, 1, 0], [], []>, transpose_lhs_hint = false} : vector<1x128xf32>, vector<25088x128xf32>, vector<1x25088xf32> -> vector<1x25088xf32>
    %swap3A = arith.constant 0 : index
    %swap3A_6 = arith.constant 0 : index
    %swap3A_7 = vector.load %arg3[%swap3A, %swap3A_6] : memref<1x25088xf32, #tpu.memory_space<vmem>>, vector<1x25088xf32>
    tpu.vector_store %arg3[%swap3A, %swap3A_6], %dot_general3A_5 {strides = array<i32>} : memref<1x25088xf32, #tpu.memory_space<vmem>>, vector<1x25088xf32>,
    return
  }
  func.func @transform_0(%arg0: i32) -> (i32, i32) {
    %c0_i32 = arith.constant 0 : i32
    %c0_i32_0 = arith.constant 0 : i32
    return %arg0, %c0_i32 : i32, i32
  }
  func.func @transform_1(%arg0: i32) -> (i32, i32) {
    %c0_i32 = arith.constant 0 : i32
    %c0_i32_0 = arith.constant 0 : i32
    %c0_i32_1 = arith.constant 0 : i32
    return %c0_i32, %c0_i32_0 : i32, i32
  }
  func.func @transform_2(%arg0: i32) -> (i32, i32) {
    %c0_i32 = arith.constant 0 : i32
    %c0_i32_0 = arith.constant 0 : i32
    return %c0_i32, %arg0 : i32, i32
  }
}

module attributes {stable_mosaic.version = 14 : i64} {
  func.func @_select_body(%arg0: memref<4x8192xf32, #tpu.memory_space<vmem>>, %arg1: memref<1xf32, #tpu.memory_space<smem>>, %arg2: memref<4x8192xf32, #tpu.memory_space<vmem>>, %arg3: memref<4x8192xi32, #tpu.memory_space<vmem>>) attributes {dimension_semantics = [], scalar_prefetch = 0 : i64, scratch_operands = 0 : i64, tpu.core_type = #tpu.core_type<tc>} {
    %get3A = arith.constant 0 : index
    %get3A_0 = arith.constant 0 : index
    %get3A_1 = vector.load %arg0[%get3A, %get3A_0] : memref<4x8192xf32, #tpu.memory_space<vmem>>, vector<4x8192xf32>
    %get3A_2 = arith.constant 0 : index
    %get3A_3 = memref.load %arg1[%get3A_2] : memref<1xf32, #tpu.memory_space<smem>>
    %add3A = vector.broadcast %get3A_3 : f32 to vector<4x8192xf32>
    %add3A_4 = arith.addf %get3A_1, %add3A : vector<4x8192xf32>
    %logistic3A = arith.negf %add3A_4 : vector<4x8192xf32>
    %logistic3A_5 = math.exp %logistic3A : vector<4x8192xf32>
    %logistic3A_6 = arith.constant 1.000000e+00 : f32
    %logistic3A_7 = vector.broadcast %logistic3A_6 : f32 to vector<4x8192xf32>
    %logistic3A_8 = arith.addf %logistic3A_7, %logistic3A_5 : vector<4x8192xf32>
    %logistic3A_9 = arith.divf %logistic3A_7, %logistic3A_8 : vector<4x8192xf32>
    %swap3A = arith.constant 0 : index
    %swap3A_10 = arith.constant 0 : index
    %swap3A_11 = vector.load %arg2[%swap3A, %swap3A_10] : memref<4x8192xf32, #tpu.memory_space<vmem>>, vector<4x8192xf32>
    tpu.vector_store %arg2[%swap3A, %swap3A_10], %logistic3A_9 {strides = array<i32>} : memref<4x8192xf32, #tpu.memory_space<vmem>>, vector<4x8192xf32>,
    %bitcast_convert_type3A = tpu.bitcast %logistic3A_9 : vector<4x8192xf32> -> vector<4x8192xi32>
    %or3A = arith.constant 0 : i32
    %or3A_12 = arith.constant 268435456 : i32
    %or3A_13 = arith.ori %or3A, %or3A_12 : i32
    %ge3A = vector.broadcast %or3A_13 : i32 to vector<4x8192xi32>
    %ge3A_14 = arith.cmpi sge, %bitcast_convert_type3A, %ge3A : vector<4x8192xi32>
    %convert_element_type3A = arith.extui %ge3A_14 : vector<4x8192xi1> to vector<4x8192xi32>
    %reduce_sum3A = vector.shape_cast %convert_element_type3A : vector<4x8192xi32> to vector<1x4x8192xi32>
    %reduce_sum3A_15 = arith.constant dense<0> : vector<1xi32>
    %reduce_sum3A_16 = vector.multi_reduction <add>, %reduce_sum3A, %reduce_sum3A_15 [1, 2] : vector<1x4x8192xi32> to vector<1xi32>
    %reduce_sum3A_17 = vector.shape_cast %reduce_sum3A_16 : vector<1xi32> to vector<1x1x1xi32>
    %reduce_sum3A_18 = vector.extract %reduce_sum3A_17[0, 0, 0] : i32 from vector<1x1x1xi32>
    %ge3A_19 = arith.constant 8192 : i32
    %ge3A_20 = arith.cmpi sge, %reduce_sum3A_18, %ge3A_19 : i32
    %convert_element_type3A_21 = arith.extui %ge3A_20 : i1 to i32
    %add3A_22 = arith.constant 0 : i32
    %add3A_23 = arith.addi %add3A_22, %convert_element_type3A_21 : i32
    %or3A_24 = arith.constant 0 : i32
    %or3A_25 = arith.constant 536870912 : i32
    %or3A_26 = arith.ori %or3A_24, %or3A_25 : i32
    %ge3A_27 = vector.broadcast %or3A_26 : i32 to vector<4x8192xi32>
    %ge3A_28 = arith.cmpi sge, %bitcast_convert_type3A, %ge3A_27 : vector<4x8192xi32>
    %convert_element_type3A_29 = arith.extui %ge3A_28 : vector<4x8192xi1> to vector<4x8192xi32>
    %reduce_sum3A_30 = vector.shape_cast %convert_element_type3A_29 : vector<4x8192xi32> to vector<1x4x8192xi32>
    %reduce_sum3A_31 = arith.constant dense<0> : vector<1xi32>
    %reduce_sum3A_32 = vector.multi_reduction <add>, %reduce_sum3A_30, %reduce_sum3A_31 [1, 2] : vector<1x4x8192xi32> to vector<1xi32>
    %reduce_sum3A_33 = vector.shape_cast %reduce_sum3A_32 : vector<1xi32> to vector<1x1x1xi32>
    %reduce_sum3A_34 = vector.extract %reduce_sum3A_33[0, 0, 0] : i32 from vector<1x1x1xi32>
    %ge3A_35 = arith.constant 8192 : i32
    %ge3A_36 = arith.cmpi sge, %reduce_sum3A_34, %ge3A_35 : i32
    %convert_element_type3A_37 = arith.extui %ge3A_36 : i1 to i32
    %add3A_38 = arith.addi %add3A_23, %convert_element_type3A_37 : i32
    %or3A_39 = arith.constant 0 : i32
    %or3A_40 = arith.constant 805306368 : i32
    %or3A_41 = arith.ori %or3A_39, %or3A_40 : i32
    %ge3A_42 = vector.broadcast %or3A_41 : i32 to vector<4x8192xi32>
    %ge3A_43 = arith.cmpi sge, %bitcast_convert_type3A, %ge3A_42 : vector<4x8192xi32>
    %convert_element_type3A_44 = arith.extui %ge3A_43 : vector<4x8192xi1> to vector<4x8192xi32>
    %reduce_sum3A_45 = vector.shape_cast %convert_element_type3A_44 : vector<4x8192xi32> to vector<1x4x8192xi32>
    %reduce_sum3A_46 = arith.constant dense<0> : vector<1xi32>
    %reduce_sum3A_47 = vector.multi_reduction <add>, %reduce_sum3A_45, %reduce_sum3A_46 [1, 2] : vector<1x4x8192xi32> to vector<1xi32>
    %reduce_sum3A_48 = vector.shape_cast %reduce_sum3A_47 : vector<1xi32> to vector<1x1x1xi32>
    %reduce_sum3A_49 = vector.extract %reduce_sum3A_48[0, 0, 0] : i32 from vector<1x1x1xi32>
    %ge3A_50 = arith.constant 8192 : i32
    %ge3A_51 = arith.cmpi sge, %reduce_sum3A_49, %ge3A_50 : i32
    %convert_element_type3A_52 = arith.extui %ge3A_51 : i1 to i32
    %add3A_53 = arith.addi %add3A_38, %convert_element_type3A_52 : i32
    %shift_left3A = arith.constant 28 : i32
    %shift_left3A_54 = arith.shli %add3A_53, %shift_left3A : i32
    %or3A_55 = arith.constant 0 : i32
    %or3A_56 = arith.ori %or3A_55, %shift_left3A_54 : i32
    %or3A_57 = arith.constant 67108864 : i32
    %or3A_58 = arith.ori %or3A_56, %or3A_57 : i32
    %ge3A_59 = vector.broadcast %or3A_58 : i32 to vector<4x8192xi32>
    %ge3A_60 = arith.cmpi sge, %bitcast_convert_type3A, %ge3A_59 : vector<4x8192xi32>
    %convert_element_type3A_61 = arith.extui %ge3A_60 : vector<4x8192xi1> to vector<4x8192xi32>
    %reduce_sum3A_62 = vector.shape_cast %convert_element_type3A_61 : vector<4x8192xi32> to vector<1x4x8192xi32>
    %reduce_sum3A_63 = arith.constant dense<0> : vector<1xi32>
    %reduce_sum3A_64 = vector.multi_reduction <add>, %reduce_sum3A_62, %reduce_sum3A_63 [1, 2] : vector<1x4x8192xi32> to vector<1xi32>
    %reduce_sum3A_65 = vector.shape_cast %reduce_sum3A_64 : vector<1xi32> to vector<1x1x1xi32>
    %reduce_sum3A_66 = vector.extract %reduce_sum3A_65[0, 0, 0] : i32 from vector<1x1x1xi32>
    %ge3A_67 = arith.constant 8192 : i32
    %ge3A_68 = arith.cmpi sge, %reduce_sum3A_66, %ge3A_67 : i32
    %convert_element_type3A_69 = arith.extui %ge3A_68 : i1 to i32
    %add3A_70 = arith.constant 0 : i32
    %add3A_71 = arith.addi %add3A_70, %convert_element_type3A_69 : i32
    %or3A_72 = arith.constant 134217728 : i32
    %or3A_73 = arith.ori %or3A_56, %or3A_72 : i32
    %ge3A_74 = vector.broadcast %or3A_73 : i32 to vector<4x8192xi32>
    %ge3A_75 = arith.cmpi sge, %bitcast_convert_type3A, %ge3A_74 : vector<4x8192xi32>
    %convert_element_type3A_76 = arith.extui %ge3A_75 : vector<4x8192xi1> to vector<4x8192xi32>
    %reduce_sum3A_77 = vector.shape_cast %convert_element_type3A_76 : vector<4x8192xi32> to vector<1x4x8192xi32>
    %reduce_sum3A_78 = arith.constant dense<0> : vector<1xi32>
    %reduce_sum3A_79 = vector.multi_reduction <add>, %reduce_sum3A_77, %reduce_sum3A_78 [1, 2] : vector<1x4x8192xi32> to vector<1xi32>
    %reduce_sum3A_80 = vector.shape_cast %reduce_sum3A_79 : vector<1xi32> to vector<1x1x1xi32>
    %reduce_sum3A_81 = vector.extract %reduce_sum3A_80[0, 0, 0] : i32 from vector<1x1x1xi32>
    %ge3A_82 = arith.constant 8192 : i32
    %ge3A_83 = arith.cmpi sge, %reduce_sum3A_81, %ge3A_82 : i32
    %convert_element_type3A_84 = arith.extui %ge3A_83 : i1 to i32
    %add3A_85 = arith.addi %add3A_71, %convert_element_type3A_84 : i32
    %or3A_86 = arith.constant 201326592 : i32
    %or3A_87 = arith.ori %or3A_56, %or3A_86 : i32
    %ge3A_88 = vector.broadcast %or3A_87 : i32 to vector<4x8192xi32>
    %ge3A_89 = arith.cmpi sge, %bitcast_convert_type3A, %ge3A_88 : vector<4x8192xi32>
    %convert_element_type3A_90 = arith.extui %ge3A_89 : vector<4x8192xi1> to vector<4x8192xi32>
    %reduce_sum3A_91 = vector.shape_cast %convert_element_type3A_90 : vector<4x8192xi32> to vector<1x4x8192xi32>
    %reduce_sum3A_92 = arith.constant dense<0> : vector<1xi32>
    %reduce_sum3A_93 = vector.multi_reduction <add>, %reduce_sum3A_91, %reduce_sum3A_92 [1, 2] : vector<1x4x8192xi32> to vector<1xi32>
    %reduce_sum3A_94 = vector.shape_cast %reduce_sum3A_93 : vector<1xi32> to vector<1x1x1xi32>
    %reduce_sum3A_95 = vector.extract %reduce_sum3A_94[0, 0, 0] : i32 from vector<1x1x1xi32>
    %ge3A_96 = arith.constant 8192 : i32
    %ge3A_97 = arith.cmpi sge, %reduce_sum3A_95, %ge3A_96 : i32
    %convert_element_type3A_98 = arith.extui %ge3A_97 : i1 to i32
    %add3A_99 = arith.addi %add3A_85, %convert_element_type3A_98 : i32
    %shift_left3A_100 = arith.constant 26 : i32
    %shift_left3A_101 = arith.shli %add3A_99, %shift_left3A_100 : i32
    %or3A_102 = arith.ori %or3A_56, %shift_left3A_101 : i32
    %or3A_103 = arith.constant 16777216 : i32
    %or3A_104 = arith.ori %or3A_102, %or3A_103 : i32
    %ge3A_105 = vector.broadcast %or3A_104 : i32 to vector<4x8192xi32>
    %ge3A_106 = arith.cmpi sge, %bitcast_convert_type3A, %ge3A_105 : vector<4x8192xi32>
    %convert_element_type3A_107 = arith.extui %ge3A_106 : vector<4x8192xi1> to vector<4x8192xi32>
    %reduce_sum3A_108 = vector.shape_cast %convert_element_type3A_107 : vector<4x8192xi32> to vector<1x4x8192xi32>
    %reduce_sum3A_109 = arith.constant dense<0> : vector<1xi32>
    %reduce_sum3A_110 = vector.multi_reduction <add>, %reduce_sum3A_108, %reduce_sum3A_109 [1, 2] : vector<1x4x8192xi32> to vector<1xi32>
    %reduce_sum3A_111 = vector.shape_cast %reduce_sum3A_110 : vector<1xi32> to vector<1x1x1xi32>
    %reduce_sum3A_112 = vector.extract %reduce_sum3A_111[0, 0, 0] : i32 from vector<1x1x1xi32>
    %ge3A_113 = arith.constant 8192 : i32
    %ge3A_114 = arith.cmpi sge, %reduce_sum3A_112, %ge3A_113 : i32
    %convert_element_type3A_115 = arith.extui %ge3A_114 : i1 to i32
    %add3A_116 = arith.constant 0 : i32
    %add3A_117 = arith.addi %add3A_116, %convert_element_type3A_115 : i32
    %or3A_118 = arith.constant 33554432 : i32
    %or3A_119 = arith.ori %or3A_102, %or3A_118 : i32
    %ge3A_120 = vector.broadcast %or3A_119 : i32 to vector<4x8192xi32>
    %ge3A_121 = arith.cmpi sge, %bitcast_convert_type3A, %ge3A_120 : vector<4x8192xi32>
    %convert_element_type3A_122 = arith.extui %ge3A_121 : vector<4x8192xi1> to vector<4x8192xi32>
    %reduce_sum3A_123 = vector.shape_cast %convert_element_type3A_122 : vector<4x8192xi32> to vector<1x4x8192xi32>
    %reduce_sum3A_124 = arith.constant dense<0> : vector<1xi32>
    %reduce_sum3A_125 = vector.multi_reduction <add>, %reduce_sum3A_123, %reduce_sum3A_124 [1, 2] : vector<1x4x8192xi32> to vector<1xi32>
    %reduce_sum3A_126 = vector.shape_cast %reduce_sum3A_125 : vector<1xi32> to vector<1x1x1xi32>
    %reduce_sum3A_127 = vector.extract %reduce_sum3A_126[0, 0, 0] : i32 from vector<1x1x1xi32>
    %ge3A_128 = arith.constant 8192 : i32
    %ge3A_129 = arith.cmpi sge, %reduce_sum3A_127, %ge3A_128 : i32
    %convert_element_type3A_130 = arith.extui %ge3A_129 : i1 to i32
    %add3A_131 = arith.addi %add3A_117, %convert_element_type3A_130 : i32
    %or3A_132 = arith.constant 50331648 : i32
    %or3A_133 = arith.ori %or3A_102, %or3A_132 : i32
    %ge3A_134 = vector.broadcast %or3A_133 : i32 to vector<4x8192xi32>
    %ge3A_135 = arith.cmpi sge, %bitcast_convert_type3A, %ge3A_134 : vector<4x8192xi32>
    %convert_element_type3A_136 = arith.extui %ge3A_135 : vector<4x8192xi1> to vector<4x8192xi32>
    %reduce_sum3A_137 = vector.shape_cast %convert_element_type3A_136 : vector<4x8192xi32> to vector<1x4x8192xi32>
    %reduce_sum3A_138 = arith.constant dense<0> : vector<1xi32>
    %reduce_sum3A_139 = vector.multi_reduction <add>, %reduce_sum3A_137, %reduce_sum3A_138 [1, 2] : vector<1x4x8192xi32> to vector<1xi32>
    %reduce_sum3A_140 = vector.shape_cast %reduce_sum3A_139 : vector<1xi32> to vector<1x1x1xi32>
    %reduce_sum3A_141 = vector.extract %reduce_sum3A_140[0, 0, 0] : i32 from vector<1x1x1xi32>
    %ge3A_142 = arith.constant 8192 : i32
    %ge3A_143 = arith.cmpi sge, %reduce_sum3A_141, %ge3A_142 : i32
    %convert_element_type3A_144 = arith.extui %ge3A_143 : i1 to i32
    %add3A_145 = arith.addi %add3A_131, %convert_element_type3A_144 : i32
    %shift_left3A_146 = arith.constant 24 : i32
    %shift_left3A_147 = arith.shli %add3A_145, %shift_left3A_146 : i32
    %or3A_148 = arith.ori %or3A_102, %shift_left3A_147 : i32
    %or3A_149 = arith.constant 4194304 : i32
    %or3A_150 = arith.ori %or3A_148, %or3A_149 : i32
    %ge3A_151 = vector.broadcast %or3A_150 : i32 to vector<4x8192xi32>
    %ge3A_152 = arith.cmpi sge, %bitcast_convert_type3A, %ge3A_151 : vector<4x8192xi32>
    %convert_element_type3A_153 = arith.extui %ge3A_152 : vector<4x8192xi1> to vector<4x8192xi32>
    %reduce_sum3A_154 = vector.shape_cast %convert_element_type3A_153 : vector<4x8192xi32> to vector<1x4x8192xi32>
    %reduce_sum3A_155 = arith.constant dense<0> : vector<1xi32>
    %reduce_sum3A_156 = vector.multi_reduction <add>, %reduce_sum3A_154, %reduce_sum3A_155 [1, 2] : vector<1x4x8192xi32> to vector<1xi32>
    %reduce_sum3A_157 = vector.shape_cast %reduce_sum3A_156 : vector<1xi32> to vector<1x1x1xi32>
    %reduce_sum3A_158 = vector.extract %reduce_sum3A_157[0, 0, 0] : i32 from vector<1x1x1xi32>
    %ge3A_159 = arith.constant 8192 : i32
    %ge3A_160 = arith.cmpi sge, %reduce_sum3A_158, %ge3A_159 : i32
    %convert_element_type3A_161 = arith.extui %ge3A_160 : i1 to i32
    %add3A_162 = arith.constant 0 : i32
    %add3A_163 = arith.addi %add3A_162, %convert_element_type3A_161 : i32
    %or3A_164 = arith.constant 8388608 : i32
    %or3A_165 = arith.ori %or3A_148, %or3A_164 : i32
    %ge3A_166 = vector.broadcast %or3A_165 : i32 to vector<4x8192xi32>
    %ge3A_167 = arith.cmpi sge, %bitcast_convert_type3A, %ge3A_166 : vector<4x8192xi32>
    %convert_element_type3A_168 = arith.extui %ge3A_167 : vector<4x8192xi1> to vector<4x8192xi32>
    %reduce_sum3A_169 = vector.shape_cast %convert_element_type3A_168 : vector<4x8192xi32> to vector<1x4x8192xi32>
    %reduce_sum3A_170 = arith.constant dense<0> : vector<1xi32>
    %reduce_sum3A_171 = vector.multi_reduction <add>, %reduce_sum3A_169, %reduce_sum3A_170 [1, 2] : vector<1x4x8192xi32> to vector<1xi32>
    %reduce_sum3A_172 = vector.shape_cast %reduce_sum3A_171 : vector<1xi32> to vector<1x1x1xi32>
    %reduce_sum3A_173 = vector.extract %reduce_sum3A_172[0, 0, 0] : i32 from vector<1x1x1xi32>
    %ge3A_174 = arith.constant 8192 : i32
    %ge3A_175 = arith.cmpi sge, %reduce_sum3A_173, %ge3A_174 : i32
    %convert_element_type3A_176 = arith.extui %ge3A_175 : i1 to i32
    %add3A_177 = arith.addi %add3A_163, %convert_element_type3A_176 : i32
    %or3A_178 = arith.constant 12582912 : i32
    %or3A_179 = arith.ori %or3A_148, %or3A_178 : i32
    %ge3A_180 = vector.broadcast %or3A_179 : i32 to vector<4x8192xi32>
    %ge3A_181 = arith.cmpi sge, %bitcast_convert_type3A, %ge3A_180 : vector<4x8192xi32>
    %convert_element_type3A_182 = arith.extui %ge3A_181 : vector<4x8192xi1> to vector<4x8192xi32>
    %reduce_sum3A_183 = vector.shape_cast %convert_element_type3A_182 : vector<4x8192xi32> to vector<1x4x8192xi32>
    %reduce_sum3A_184 = arith.constant dense<0> : vector<1xi32>
    %reduce_sum3A_185 = vector.multi_reduction <add>, %reduce_sum3A_183, %reduce_sum3A_184 [1, 2] : vector<1x4x8192xi32> to vector<1xi32>
    %reduce_sum3A_186 = vector.shape_cast %reduce_sum3A_185 : vector<1xi32> to vector<1x1x1xi32>
    %reduce_sum3A_187 = vector.extract %reduce_sum3A_186[0, 0, 0] : i32 from vector<1x1x1xi32>
    %ge3A_188 = arith.constant 8192 : i32
    %ge3A_189 = arith.cmpi sge, %reduce_sum3A_187, %ge3A_188 : i32
    %convert_element_type3A_190 = arith.extui %ge3A_189 : i1 to i32
    %add3A_191 = arith.addi %add3A_177, %convert_element_type3A_190 : i32
    %shift_left3A_192 = arith.constant 22 : i32
    %shift_left3A_193 = arith.shli %add3A_191, %shift_left3A_192 : i32
    %or3A_194 = arith.ori %or3A_148, %shift_left3A_193 : i32
    %or3A_195 = arith.constant 1048576 : i32
    %or3A_196 = arith.ori %or3A_194, %or3A_195 : i32
    %ge3A_197 = vector.broadcast %or3A_196 : i32 to vector<4x8192xi32>
    %ge3A_198 = arith.cmpi sge, %bitcast_convert_type3A, %ge3A_197 : vector<4x8192xi32>
    %convert_element_type3A_199 = arith.extui %ge3A_198 : vector<4x8192xi1> to vector<4x8192xi32>
    %reduce_sum3A_200 = vector.shape_cast %convert_element_type3A_199 : vector<4x8192xi32> to vector<1x4x8192xi32>
    %reduce_sum3A_201 = arith.constant dense<0> : vector<1xi32>
    %reduce_sum3A_202 = vector.multi_reduction <add>, %reduce_sum3A_200, %reduce_sum3A_201 [1, 2] : vector<1x4x8192xi32> to vector<1xi32>
    %reduce_sum3A_203 = vector.shape_cast %reduce_sum3A_202 : vector<1xi32> to vector<1x1x1xi32>
    %reduce_sum3A_204 = vector.extract %reduce_sum3A_203[0, 0, 0] : i32 from vector<1x1x1xi32>
    %ge3A_205 = arith.constant 8192 : i32
    %ge3A_206 = arith.cmpi sge, %reduce_sum3A_204, %ge3A_205 : i32
    %convert_element_type3A_207 = arith.extui %ge3A_206 : i1 to i32
    %add3A_208 = arith.constant 0 : i32
    %add3A_209 = arith.addi %add3A_208, %convert_element_type3A_207 : i32
    %or3A_210 = arith.constant 2097152 : i32
    %or3A_211 = arith.ori %or3A_194, %or3A_210 : i32
    %ge3A_212 = vector.broadcast %or3A_211 : i32 to vector<4x8192xi32>
    %ge3A_213 = arith.cmpi sge, %bitcast_convert_type3A, %ge3A_212 : vector<4x8192xi32>
    %convert_element_type3A_214 = arith.extui %ge3A_213 : vector<4x8192xi1> to vector<4x8192xi32>
    %reduce_sum3A_215 = vector.shape_cast %convert_element_type3A_214 : vector<4x8192xi32> to vector<1x4x8192xi32>
    %reduce_sum3A_216 = arith.constant dense<0> : vector<1xi32>
    %reduce_sum3A_217 = vector.multi_reduction <add>, %reduce_sum3A_215, %reduce_sum3A_216 [1, 2] : vector<1x4x8192xi32> to vector<1xi32>
    %reduce_sum3A_218 = vector.shape_cast %reduce_sum3A_217 : vector<1xi32> to vector<1x1x1xi32>
    %reduce_sum3A_219 = vector.extract %reduce_sum3A_218[0, 0, 0] : i32 from vector<1x1x1xi32>
    %ge3A_220 = arith.constant 8192 : i32
    %ge3A_221 = arith.cmpi sge, %reduce_sum3A_219, %ge3A_220 : i32
    %convert_element_type3A_222 = arith.extui %ge3A_221 : i1 to i32
    %add3A_223 = arith.addi %add3A_209, %convert_element_type3A_222 : i32
    %or3A_224 = arith.constant 3145728 : i32
    %or3A_225 = arith.ori %or3A_194, %or3A_224 : i32
    %ge3A_226 = vector.broadcast %or3A_225 : i32 to vector<4x8192xi32>
    %ge3A_227 = arith.cmpi sge, %bitcast_convert_type3A, %ge3A_226 : vector<4x8192xi32>
    %convert_element_type3A_228 = arith.extui %ge3A_227 : vector<4x8192xi1> to vector<4x8192xi32>
    %reduce_sum3A_229 = vector.shape_cast %convert_element_type3A_228 : vector<4x8192xi32> to vector<1x4x8192xi32>
    %reduce_sum3A_230 = arith.constant dense<0> : vector<1xi32>
    %reduce_sum3A_231 = vector.multi_reduction <add>, %reduce_sum3A_229, %reduce_sum3A_230 [1, 2] : vector<1x4x8192xi32> to vector<1xi32>
    %reduce_sum3A_232 = vector.shape_cast %reduce_sum3A_231 : vector<1xi32> to vector<1x1x1xi32>
    %reduce_sum3A_233 = vector.extract %reduce_sum3A_232[0, 0, 0] : i32 from vector<1x1x1xi32>
    %ge3A_234 = arith.constant 8192 : i32
    %ge3A_235 = arith.cmpi sge, %reduce_sum3A_233, %ge3A_234 : i32
    %convert_element_type3A_236 = arith.extui %ge3A_235 : i1 to i32
    %add3A_237 = arith.addi %add3A_223, %convert_element_type3A_236 : i32
    %shift_left3A_238 = arith.constant 20 : i32
    %shift_left3A_239 = arith.shli %add3A_237, %shift_left3A_238 : i32
    %or3A_240 = arith.ori %or3A_194, %shift_left3A_239 : i32
    %or3A_241 = arith.constant 262144 : i32
    %or3A_242 = arith.ori %or3A_240, %or3A_241 : i32
    %ge3A_243 = vector.broadcast %or3A_242 : i32 to vector<4x8192xi32>
    %ge3A_244 = arith.cmpi sge, %bitcast_convert_type3A, %ge3A_243 : vector<4x8192xi32>
    %convert_element_type3A_245 = arith.extui %ge3A_244 : vector<4x8192xi1> to vector<4x8192xi32>
    %reduce_sum3A_246 = vector.shape_cast %convert_element_type3A_245 : vector<4x8192xi32> to vector<1x4x8192xi32>
    %reduce_sum3A_247 = arith.constant dense<0> : vector<1xi32>
    %reduce_sum3A_248 = vector.multi_reduction <add>, %reduce_sum3A_246, %reduce_sum3A_247 [1, 2] : vector<1x4x8192xi32> to vector<1xi32>
    %reduce_sum3A_249 = vector.shape_cast %reduce_sum3A_248 : vector<1xi32> to vector<1x1x1xi32>
    %reduce_sum3A_250 = vector.extract %reduce_sum3A_249[0, 0, 0] : i32 from vector<1x1x1xi32>
    %ge3A_251 = arith.constant 8192 : i32
    %ge3A_252 = arith.cmpi sge, %reduce_sum3A_250, %ge3A_251 : i32
    %convert_element_type3A_253 = arith.extui %ge3A_252 : i1 to i32
    %add3A_254 = arith.constant 0 : i32
    %add3A_255 = arith.addi %add3A_254, %convert_element_type3A_253 : i32
    %or3A_256 = arith.constant 524288 : i32
    %or3A_257 = arith.ori %or3A_240, %or3A_256 : i32
    %ge3A_258 = vector.broadcast %or3A_257 : i32 to vector<4x8192xi32>
    %ge3A_259 = arith.cmpi sge, %bitcast_convert_type3A, %ge3A_258 : vector<4x8192xi32>
    %convert_element_type3A_260 = arith.extui %ge3A_259 : vector<4x8192xi1> to vector<4x8192xi32>
    %reduce_sum3A_261 = vector.shape_cast %convert_element_type3A_260 : vector<4x8192xi32> to vector<1x4x8192xi32>
    %reduce_sum3A_262 = arith.constant dense<0> : vector<1xi32>
    %reduce_sum3A_263 = vector.multi_reduction <add>, %reduce_sum3A_261, %reduce_sum3A_262 [1, 2] : vector<1x4x8192xi32> to vector<1xi32>
    %reduce_sum3A_264 = vector.shape_cast %reduce_sum3A_263 : vector<1xi32> to vector<1x1x1xi32>
    %reduce_sum3A_265 = vector.extract %reduce_sum3A_264[0, 0, 0] : i32 from vector<1x1x1xi32>
    %ge3A_266 = arith.constant 8192 : i32
    %ge3A_267 = arith.cmpi sge, %reduce_sum3A_265, %ge3A_266 : i32
    %convert_element_type3A_268 = arith.extui %ge3A_267 : i1 to i32
    %add3A_269 = arith.addi %add3A_255, %convert_element_type3A_268 : i32
    %or3A_270 = arith.constant 786432 : i32
    %or3A_271 = arith.ori %or3A_240, %or3A_270 : i32
    %ge3A_272 = vector.broadcast %or3A_271 : i32 to vector<4x8192xi32>
    %ge3A_273 = arith.cmpi sge, %bitcast_convert_type3A, %ge3A_272 : vector<4x8192xi32>
    %convert_element_type3A_274 = arith.extui %ge3A_273 : vector<4x8192xi1> to vector<4x8192xi32>
    %reduce_sum3A_275 = vector.shape_cast %convert_element_type3A_274 : vector<4x8192xi32> to vector<1x4x8192xi32>
    %reduce_sum3A_276 = arith.constant dense<0> : vector<1xi32>
    %reduce_sum3A_277 = vector.multi_reduction <add>, %reduce_sum3A_275, %reduce_sum3A_276 [1, 2] : vector<1x4x8192xi32> to vector<1xi32>
    %reduce_sum3A_278 = vector.shape_cast %reduce_sum3A_277 : vector<1xi32> to vector<1x1x1xi32>
    %reduce_sum3A_279 = vector.extract %reduce_sum3A_278[0, 0, 0] : i32 from vector<1x1x1xi32>
    %ge3A_280 = arith.constant 8192 : i32
    %ge3A_281 = arith.cmpi sge, %reduce_sum3A_279, %ge3A_280 : i32
    %convert_element_type3A_282 = arith.extui %ge3A_281 : i1 to i32
    %add3A_283 = arith.addi %add3A_269, %convert_element_type3A_282 : i32
    %shift_left3A_284 = arith.constant 18 : i32
    %shift_left3A_285 = arith.shli %add3A_283, %shift_left3A_284 : i32
    %or3A_286 = arith.ori %or3A_240, %shift_left3A_285 : i32
    %or3A_287 = arith.constant 65536 : i32
    %or3A_288 = arith.ori %or3A_286, %or3A_287 : i32
    %ge3A_289 = vector.broadcast %or3A_288 : i32 to vector<4x8192xi32>
    %ge3A_290 = arith.cmpi sge, %bitcast_convert_type3A, %ge3A_289 : vector<4x8192xi32>
    %convert_element_type3A_291 = arith.extui %ge3A_290 : vector<4x8192xi1> to vector<4x8192xi32>
    %reduce_sum3A_292 = vector.shape_cast %convert_element_type3A_291 : vector<4x8192xi32> to vector<1x4x8192xi32>
    %reduce_sum3A_293 = arith.constant dense<0> : vector<1xi32>
    %reduce_sum3A_294 = vector.multi_reduction <add>, %reduce_sum3A_292, %reduce_sum3A_293 [1, 2] : vector<1x4x8192xi32> to vector<1xi32>
    %reduce_sum3A_295 = vector.shape_cast %reduce_sum3A_294 : vector<1xi32> to vector<1x1x1xi32>
    %reduce_sum3A_296 = vector.extract %reduce_sum3A_295[0, 0, 0] : i32 from vector<1x1x1xi32>
    %ge3A_297 = arith.constant 8192 : i32
    %ge3A_298 = arith.cmpi sge, %reduce_sum3A_296, %ge3A_297 : i32
    %convert_element_type3A_299 = arith.extui %ge3A_298 : i1 to i32
    %add3A_300 = arith.constant 0 : i32
    %add3A_301 = arith.addi %add3A_300, %convert_element_type3A_299 : i32
    %or3A_302 = arith.constant 131072 : i32
    %or3A_303 = arith.ori %or3A_286, %or3A_302 : i32
    %ge3A_304 = vector.broadcast %or3A_303 : i32 to vector<4x8192xi32>
    %ge3A_305 = arith.cmpi sge, %bitcast_convert_type3A, %ge3A_304 : vector<4x8192xi32>
    %convert_element_type3A_306 = arith.extui %ge3A_305 : vector<4x8192xi1> to vector<4x8192xi32>
    %reduce_sum3A_307 = vector.shape_cast %convert_element_type3A_306 : vector<4x8192xi32> to vector<1x4x8192xi32>
    %reduce_sum3A_308 = arith.constant dense<0> : vector<1xi32>
    %reduce_sum3A_309 = vector.multi_reduction <add>, %reduce_sum3A_307, %reduce_sum3A_308 [1, 2] : vector<1x4x8192xi32> to vector<1xi32>
    %reduce_sum3A_310 = vector.shape_cast %reduce_sum3A_309 : vector<1xi32> to vector<1x1x1xi32>
    %reduce_sum3A_311 = vector.extract %reduce_sum3A_310[0, 0, 0] : i32 from vector<1x1x1xi32>
    %ge3A_312 = arith.constant 8192 : i32
    %ge3A_313 = arith.cmpi sge, %reduce_sum3A_311, %ge3A_312 : i32
    %convert_element_type3A_314 = arith.extui %ge3A_313 : i1 to i32
    %add3A_315 = arith.addi %add3A_301, %convert_element_type3A_314 : i32
    %or3A_316 = arith.constant 196608 : i32
    %or3A_317 = arith.ori %or3A_286, %or3A_316 : i32
    %ge3A_318 = vector.broadcast %or3A_317 : i32 to vector<4x8192xi32>
    %ge3A_319 = arith.cmpi sge, %bitcast_convert_type3A, %ge3A_318 : vector<4x8192xi32>
    %convert_element_type3A_320 = arith.extui %ge3A_319 : vector<4x8192xi1> to vector<4x8192xi32>
    %reduce_sum3A_321 = vector.shape_cast %convert_element_type3A_320 : vector<4x8192xi32> to vector<1x4x8192xi32>
    %reduce_sum3A_322 = arith.constant dense<0> : vector<1xi32>
    %reduce_sum3A_323 = vector.multi_reduction <add>, %reduce_sum3A_321, %reduce_sum3A_322 [1, 2] : vector<1x4x8192xi32> to vector<1xi32>
    %reduce_sum3A_324 = vector.shape_cast %reduce_sum3A_323 : vector<1xi32> to vector<1x1x1xi32>
    %reduce_sum3A_325 = vector.extract %reduce_sum3A_324[0, 0, 0] : i32 from vector<1x1x1xi32>
    %ge3A_326 = arith.constant 8192 : i32
    %ge3A_327 = arith.cmpi sge, %reduce_sum3A_325, %ge3A_326 : i32
    %convert_element_type3A_328 = arith.extui %ge3A_327 : i1 to i32
    %add3A_329 = arith.addi %add3A_315, %convert_element_type3A_328 : i32
    %shift_left3A_330 = arith.constant 16 : i32
    %shift_left3A_331 = arith.shli %add3A_329, %shift_left3A_330 : i32
    %or3A_332 = arith.ori %or3A_286, %shift_left3A_331 : i32
    %or3A_333 = arith.constant 16384 : i32
    %or3A_334 = arith.ori %or3A_332, %or3A_333 : i32
    %ge3A_335 = vector.broadcast %or3A_334 : i32 to vector<4x8192xi32>
    %ge3A_336 = arith.cmpi sge, %bitcast_convert_type3A, %ge3A_335 : vector<4x8192xi32>
    %convert_element_type3A_337 = arith.extui %ge3A_336 : vector<4x8192xi1> to vector<4x8192xi32>
    %reduce_sum3A_338 = vector.shape_cast %convert_element_type3A_337 : vector<4x8192xi32> to vector<1x4x8192xi32>
    %reduce_sum3A_339 = arith.constant dense<0> : vector<1xi32>
    %reduce_sum3A_340 = vector.multi_reduction <add>, %reduce_sum3A_338, %reduce_sum3A_339 [1, 2] : vector<1x4x8192xi32> to vector<1xi32>
    %reduce_sum3A_341 = vector.shape_cast %reduce_sum3A_340 : vector<1xi32> to vector<1x1x1xi32>
    %reduce_sum3A_342 = vector.extract %reduce_sum3A_341[0, 0, 0] : i32 from vector<1x1x1xi32>
    %ge3A_343 = arith.constant 8192 : i32
    %ge3A_344 = arith.cmpi sge, %reduce_sum3A_342, %ge3A_343 : i32
    %convert_element_type3A_345 = arith.extui %ge3A_344 : i1 to i32
    %add3A_346 = arith.constant 0 : i32
    %add3A_347 = arith.addi %add3A_346, %convert_element_type3A_345 : i32
    %or3A_348 = arith.constant 32768 : i32
    %or3A_349 = arith.ori %or3A_332, %or3A_348 : i32
    %ge3A_350 = vector.broadcast %or3A_349 : i32 to vector<4x8192xi32>
    %ge3A_351 = arith.cmpi sge, %bitcast_convert_type3A, %ge3A_350 : vector<4x8192xi32>
    %convert_element_type3A_352 = arith.extui %ge3A_351 : vector<4x8192xi1> to vector<4x8192xi32>
    %reduce_sum3A_353 = vector.shape_cast %convert_element_type3A_352 : vector<4x8192xi32> to vector<1x4x8192xi32>
    %reduce_sum3A_354 = arith.constant dense<0> : vector<1xi32>
    %reduce_sum3A_355 = vector.multi_reduction <add>, %reduce_sum3A_353, %reduce_sum3A_354 [1, 2] : vector<1x4x8192xi32> to vector<1xi32>
    %reduce_sum3A_356 = vector.shape_cast %reduce_sum3A_355 : vector<1xi32> to vector<1x1x1xi32>
    %reduce_sum3A_357 = vector.extract %reduce_sum3A_356[0, 0, 0] : i32 from vector<1x1x1xi32>
    %ge3A_358 = arith.constant 8192 : i32
    %ge3A_359 = arith.cmpi sge, %reduce_sum3A_357, %ge3A_358 : i32
    %convert_element_type3A_360 = arith.extui %ge3A_359 : i1 to i32
    %add3A_361 = arith.addi %add3A_347, %convert_element_type3A_360 : i32
    %or3A_362 = arith.constant 49152 : i32
    %or3A_363 = arith.ori %or3A_332, %or3A_362 : i32
    %ge3A_364 = vector.broadcast %or3A_363 : i32 to vector<4x8192xi32>
    %ge3A_365 = arith.cmpi sge, %bitcast_convert_type3A, %ge3A_364 : vector<4x8192xi32>
    %convert_element_type3A_366 = arith.extui %ge3A_365 : vector<4x8192xi1> to vector<4x8192xi32>
    %reduce_sum3A_367 = vector.shape_cast %convert_element_type3A_366 : vector<4x8192xi32> to vector<1x4x8192xi32>
    %reduce_sum3A_368 = arith.constant dense<0> : vector<1xi32>
    %reduce_sum3A_369 = vector.multi_reduction <add>, %reduce_sum3A_367, %reduce_sum3A_368 [1, 2] : vector<1x4x8192xi32> to vector<1xi32>
    %reduce_sum3A_370 = vector.shape_cast %reduce_sum3A_369 : vector<1xi32> to vector<1x1x1xi32>
    %reduce_sum3A_371 = vector.extract %reduce_sum3A_370[0, 0, 0] : i32 from vector<1x1x1xi32>
    %ge3A_372 = arith.constant 8192 : i32
    %ge3A_373 = arith.cmpi sge, %reduce_sum3A_371, %ge3A_372 : i32
    %convert_element_type3A_374 = arith.extui %ge3A_373 : i1 to i32
    %add3A_375 = arith.addi %add3A_361, %convert_element_type3A_374 : i32
    %shift_left3A_376 = arith.constant 14 : i32
    %shift_left3A_377 = arith.shli %add3A_375, %shift_left3A_376 : i32
    %or3A_378 = arith.ori %or3A_332, %shift_left3A_377 : i32
    %or3A_379 = arith.constant 4096 : i32
    %or3A_380 = arith.ori %or3A_378, %or3A_379 : i32
    %ge3A_381 = vector.broadcast %or3A_380 : i32 to vector<4x8192xi32>
    %ge3A_382 = arith.cmpi sge, %bitcast_convert_type3A, %ge3A_381 : vector<4x8192xi32>
    %convert_element_type3A_383 = arith.extui %ge3A_382 : vector<4x8192xi1> to vector<4x8192xi32>
    %reduce_sum3A_384 = vector.shape_cast %convert_element_type3A_383 : vector<4x8192xi32> to vector<1x4x8192xi32>
    %reduce_sum3A_385 = arith.constant dense<0> : vector<1xi32>
    %reduce_sum3A_386 = vector.multi_reduction <add>, %reduce_sum3A_384, %reduce_sum3A_385 [1, 2] : vector<1x4x8192xi32> to vector<1xi32>
    %reduce_sum3A_387 = vector.shape_cast %reduce_sum3A_386 : vector<1xi32> to vector<1x1x1xi32>
    %reduce_sum3A_388 = vector.extract %reduce_sum3A_387[0, 0, 0] : i32 from vector<1x1x1xi32>
    %ge3A_389 = arith.constant 8192 : i32
    %ge3A_390 = arith.cmpi sge, %reduce_sum3A_388, %ge3A_389 : i32
    %convert_element_type3A_391 = arith.extui %ge3A_390 : i1 to i32
    %add3A_392 = arith.constant 0 : i32
    %add3A_393 = arith.addi %add3A_392, %convert_element_type3A_391 : i32
    %or3A_394 = arith.constant 8192 : i32
    %or3A_395 = arith.ori %or3A_378, %or3A_394 : i32
    %ge3A_396 = vector.broadcast %or3A_395 : i32 to vector<4x8192xi32>
    %ge3A_397 = arith.cmpi sge, %bitcast_convert_type3A, %ge3A_396 : vector<4x8192xi32>
    %convert_element_type3A_398 = arith.extui %ge3A_397 : vector<4x8192xi1> to vector<4x8192xi32>
    %reduce_sum3A_399 = vector.shape_cast %convert_element_type3A_398 : vector<4x8192xi32> to vector<1x4x8192xi32>
    %reduce_sum3A_400 = arith.constant dense<0> : vector<1xi32>
    %reduce_sum3A_401 = vector.multi_reduction <add>, %reduce_sum3A_399, %reduce_sum3A_400 [1, 2] : vector<1x4x8192xi32> to vector<1xi32>
    %reduce_sum3A_402 = vector.shape_cast %reduce_sum3A_401 : vector<1xi32> to vector<1x1x1xi32>
    %reduce_sum3A_403 = vector.extract %reduce_sum3A_402[0, 0, 0] : i32 from vector<1x1x1xi32>
    %ge3A_404 = arith.constant 8192 : i32
    %ge3A_405 = arith.cmpi sge, %reduce_sum3A_403, %ge3A_404 : i32
    %convert_element_type3A_406 = arith.extui %ge3A_405 : i1 to i32
    %add3A_407 = arith.addi %add3A_393, %convert_element_type3A_406 : i32
    %or3A_408 = arith.constant 12288 : i32
    %or3A_409 = arith.ori %or3A_378, %or3A_408 : i32
    %ge3A_410 = vector.broadcast %or3A_409 : i32 to vector<4x8192xi32>
    %ge3A_411 = arith.cmpi sge, %bitcast_convert_type3A, %ge3A_410 : vector<4x8192xi32>
    %convert_element_type3A_412 = arith.extui %ge3A_411 : vector<4x8192xi1> to vector<4x8192xi32>
    %reduce_sum3A_413 = vector.shape_cast %convert_element_type3A_412 : vector<4x8192xi32> to vector<1x4x8192xi32>
    %reduce_sum3A_414 = arith.constant dense<0> : vector<1xi32>
    %reduce_sum3A_415 = vector.multi_reduction <add>, %reduce_sum3A_413, %reduce_sum3A_414 [1, 2] : vector<1x4x8192xi32> to vector<1xi32>
    %reduce_sum3A_416 = vector.shape_cast %reduce_sum3A_415 : vector<1xi32> to vector<1x1x1xi32>
    %reduce_sum3A_417 = vector.extract %reduce_sum3A_416[0, 0, 0] : i32 from vector<1x1x1xi32>
    %ge3A_418 = arith.constant 8192 : i32
    %ge3A_419 = arith.cmpi sge, %reduce_sum3A_417, %ge3A_418 : i32
    %convert_element_type3A_420 = arith.extui %ge3A_419 : i1 to i32
    %add3A_421 = arith.addi %add3A_407, %convert_element_type3A_420 : i32
    %shift_left3A_422 = arith.constant 12 : i32
    %shift_left3A_423 = arith.shli %add3A_421, %shift_left3A_422 : i32
    %or3A_424 = arith.ori %or3A_378, %shift_left3A_423 : i32
    %or3A_425 = arith.constant 1024 : i32
    %or3A_426 = arith.ori %or3A_424, %or3A_425 : i32
    %ge3A_427 = vector.broadcast %or3A_426 : i32 to vector<4x8192xi32>
    %ge3A_428 = arith.cmpi sge, %bitcast_convert_type3A, %ge3A_427 : vector<4x8192xi32>
    %convert_element_type3A_429 = arith.extui %ge3A_428 : vector<4x8192xi1> to vector<4x8192xi32>
    %reduce_sum3A_430 = vector.shape_cast %convert_element_type3A_429 : vector<4x8192xi32> to vector<1x4x8192xi32>
    %reduce_sum3A_431 = arith.constant dense<0> : vector<1xi32>
    %reduce_sum3A_432 = vector.multi_reduction <add>, %reduce_sum3A_430, %reduce_sum3A_431 [1, 2] : vector<1x4x8192xi32> to vector<1xi32>
    %reduce_sum3A_433 = vector.shape_cast %reduce_sum3A_432 : vector<1xi32> to vector<1x1x1xi32>
    %reduce_sum3A_434 = vector.extract %reduce_sum3A_433[0, 0, 0] : i32 from vector<1x1x1xi32>
    %ge3A_435 = arith.constant 8192 : i32
    %ge3A_436 = arith.cmpi sge, %reduce_sum3A_434, %ge3A_435 : i32
    %convert_element_type3A_437 = arith.extui %ge3A_436 : i1 to i32
    %add3A_438 = arith.constant 0 : i32
    %add3A_439 = arith.addi %add3A_438, %convert_element_type3A_437 : i32
    %or3A_440 = arith.constant 2048 : i32
    %or3A_441 = arith.ori %or3A_424, %or3A_440 : i32
    %ge3A_442 = vector.broadcast %or3A_441 : i32 to vector<4x8192xi32>
    %ge3A_443 = arith.cmpi sge, %bitcast_convert_type3A, %ge3A_442 : vector<4x8192xi32>
    %convert_element_type3A_444 = arith.extui %ge3A_443 : vector<4x8192xi1> to vector<4x8192xi32>
    %reduce_sum3A_445 = vector.shape_cast %convert_element_type3A_444 : vector<4x8192xi32> to vector<1x4x8192xi32>
    %reduce_sum3A_446 = arith.constant dense<0> : vector<1xi32>
    %reduce_sum3A_447 = vector.multi_reduction <add>, %reduce_sum3A_445, %reduce_sum3A_446 [1, 2] : vector<1x4x8192xi32> to vector<1xi32>
    %reduce_sum3A_448 = vector.shape_cast %reduce_sum3A_447 : vector<1xi32> to vector<1x1x1xi32>
    %reduce_sum3A_449 = vector.extract %reduce_sum3A_448[0, 0, 0] : i32 from vector<1x1x1xi32>
    %ge3A_450 = arith.constant 8192 : i32
    %ge3A_451 = arith.cmpi sge, %reduce_sum3A_449, %ge3A_450 : i32
    %convert_element_type3A_452 = arith.extui %ge3A_451 : i1 to i32
    %add3A_453 = arith.addi %add3A_439, %convert_element_type3A_452 : i32
    %or3A_454 = arith.constant 3072 : i32
    %or3A_455 = arith.ori %or3A_424, %or3A_454 : i32
    %ge3A_456 = vector.broadcast %or3A_455 : i32 to vector<4x8192xi32>
    %ge3A_457 = arith.cmpi sge, %bitcast_convert_type3A, %ge3A_456 : vector<4x8192xi32>
    %convert_element_type3A_458 = arith.extui %ge3A_457 : vector<4x8192xi1> to vector<4x8192xi32>
    %reduce_sum3A_459 = vector.shape_cast %convert_element_type3A_458 : vector<4x8192xi32> to vector<1x4x8192xi32>
    %reduce_sum3A_460 = arith.constant dense<0> : vector<1xi32>
    %reduce_sum3A_461 = vector.multi_reduction <add>, %reduce_sum3A_459, %reduce_sum3A_460 [1, 2] : vector<1x4x8192xi32> to vector<1xi32>
    %reduce_sum3A_462 = vector.shape_cast %reduce_sum3A_461 : vector<1xi32> to vector<1x1x1xi32>
    %reduce_sum3A_463 = vector.extract %reduce_sum3A_462[0, 0, 0] : i32 from vector<1x1x1xi32>
    %ge3A_464 = arith.constant 8192 : i32
    %ge3A_465 = arith.cmpi sge, %reduce_sum3A_463, %ge3A_464 : i32
    %convert_element_type3A_466 = arith.extui %ge3A_465 : i1 to i32
    %add3A_467 = arith.addi %add3A_453, %convert_element_type3A_466 : i32
    %shift_left3A_468 = arith.constant 10 : i32
    %shift_left3A_469 = arith.shli %add3A_467, %shift_left3A_468 : i32
    %or3A_470 = arith.ori %or3A_424, %shift_left3A_469 : i32
    %or3A_471 = arith.constant 256 : i32
    %or3A_472 = arith.ori %or3A_470, %or3A_471 : i32
    %ge3A_473 = vector.broadcast %or3A_472 : i32 to vector<4x8192xi32>
    %ge3A_474 = arith.cmpi sge, %bitcast_convert_type3A, %ge3A_473 : vector<4x8192xi32>
    %convert_element_type3A_475 = arith.extui %ge3A_474 : vector<4x8192xi1> to vector<4x8192xi32>
    %reduce_sum3A_476 = vector.shape_cast %convert_element_type3A_475 : vector<4x8192xi32> to vector<1x4x8192xi32>
    %reduce_sum3A_477 = arith.constant dense<0> : vector<1xi32>
    %reduce_sum3A_478 = vector.multi_reduction <add>, %reduce_sum3A_476, %reduce_sum3A_477 [1, 2] : vector<1x4x8192xi32> to vector<1xi32>
    %reduce_sum3A_479 = vector.shape_cast %reduce_sum3A_478 : vector<1xi32> to vector<1x1x1xi32>
    %reduce_sum3A_480 = vector.extract %reduce_sum3A_479[0, 0, 0] : i32 from vector<1x1x1xi32>
    %ge3A_481 = arith.constant 8192 : i32
    %ge3A_482 = arith.cmpi sge, %reduce_sum3A_480, %ge3A_481 : i32
    %convert_element_type3A_483 = arith.extui %ge3A_482 : i1 to i32
    %add3A_484 = arith.constant 0 : i32
    %add3A_485 = arith.addi %add3A_484, %convert_element_type3A_483 : i32
    %or3A_486 = arith.constant 512 : i32
    %or3A_487 = arith.ori %or3A_470, %or3A_486 : i32
    %ge3A_488 = vector.broadcast %or3A_487 : i32 to vector<4x8192xi32>
    %ge3A_489 = arith.cmpi sge, %bitcast_convert_type3A, %ge3A_488 : vector<4x8192xi32>
    %convert_element_type3A_490 = arith.extui %ge3A_489 : vector<4x8192xi1> to vector<4x8192xi32>
    %reduce_sum3A_491 = vector.shape_cast %convert_element_type3A_490 : vector<4x8192xi32> to vector<1x4x8192xi32>
    %reduce_sum3A_492 = arith.constant dense<0> : vector<1xi32>
    %reduce_sum3A_493 = vector.multi_reduction <add>, %reduce_sum3A_491, %reduce_sum3A_492 [1, 2] : vector<1x4x8192xi32> to vector<1xi32>
    %reduce_sum3A_494 = vector.shape_cast %reduce_sum3A_493 : vector<1xi32> to vector<1x1x1xi32>
    %reduce_sum3A_495 = vector.extract %reduce_sum3A_494[0, 0, 0] : i32 from vector<1x1x1xi32>
    %ge3A_496 = arith.constant 8192 : i32
    %ge3A_497 = arith.cmpi sge, %reduce_sum3A_495, %ge3A_496 : i32
    %convert_element_type3A_498 = arith.extui %ge3A_497 : i1 to i32
    %add3A_499 = arith.addi %add3A_485, %convert_element_type3A_498 : i32
    %or3A_500 = arith.constant 768 : i32
    %or3A_501 = arith.ori %or3A_470, %or3A_500 : i32
    %ge3A_502 = vector.broadcast %or3A_501 : i32 to vector<4x8192xi32>
    %ge3A_503 = arith.cmpi sge, %bitcast_convert_type3A, %ge3A_502 : vector<4x8192xi32>
    %convert_element_type3A_504 = arith.extui %ge3A_503 : vector<4x8192xi1> to vector<4x8192xi32>
    %reduce_sum3A_505 = vector.shape_cast %convert_element_type3A_504 : vector<4x8192xi32> to vector<1x4x8192xi32>
    %reduce_sum3A_506 = arith.constant dense<0> : vector<1xi32>
    %reduce_sum3A_507 = vector.multi_reduction <add>, %reduce_sum3A_505, %reduce_sum3A_506 [1, 2] : vector<1x4x8192xi32> to vector<1xi32>
    %reduce_sum3A_508 = vector.shape_cast %reduce_sum3A_507 : vector<1xi32> to vector<1x1x1xi32>
    %reduce_sum3A_509 = vector.extract %reduce_sum3A_508[0, 0, 0] : i32 from vector<1x1x1xi32>
    %ge3A_510 = arith.constant 8192 : i32
    %ge3A_511 = arith.cmpi sge, %reduce_sum3A_509, %ge3A_510 : i32
    %convert_element_type3A_512 = arith.extui %ge3A_511 : i1 to i32
    %add3A_513 = arith.addi %add3A_499, %convert_element_type3A_512 : i32
    %shift_left3A_514 = arith.constant 8 : i32
    %shift_left3A_515 = arith.shli %add3A_513, %shift_left3A_514 : i32
    %or3A_516 = arith.ori %or3A_470, %shift_left3A_515 : i32
    %or3A_517 = arith.constant 64 : i32
    %or3A_518 = arith.ori %or3A_516, %or3A_517 : i32
    %ge3A_519 = vector.broadcast %or3A_518 : i32 to vector<4x8192xi32>
    %ge3A_520 = arith.cmpi sge, %bitcast_convert_type3A, %ge3A_519 : vector<4x8192xi32>
    %convert_element_type3A_521 = arith.extui %ge3A_520 : vector<4x8192xi1> to vector<4x8192xi32>
    %reduce_sum3A_522 = vector.shape_cast %convert_element_type3A_521 : vector<4x8192xi32> to vector<1x4x8192xi32>
    %reduce_sum3A_523 = arith.constant dense<0> : vector<1xi32>
    %reduce_sum3A_524 = vector.multi_reduction <add>, %reduce_sum3A_522, %reduce_sum3A_523 [1, 2] : vector<1x4x8192xi32> to vector<1xi32>
    %reduce_sum3A_525 = vector.shape_cast %reduce_sum3A_524 : vector<1xi32> to vector<1x1x1xi32>
    %reduce_sum3A_526 = vector.extract %reduce_sum3A_525[0, 0, 0] : i32 from vector<1x1x1xi32>
    %ge3A_527 = arith.constant 8192 : i32
    %ge3A_528 = arith.cmpi sge, %reduce_sum3A_526, %ge3A_527 : i32
    %convert_element_type3A_529 = arith.extui %ge3A_528 : i1 to i32
    %add3A_530 = arith.constant 0 : i32
    %add3A_531 = arith.addi %add3A_530, %convert_element_type3A_529 : i32
    %or3A_532 = arith.constant 128 : i32
    %or3A_533 = arith.ori %or3A_516, %or3A_532 : i32
    %ge3A_534 = vector.broadcast %or3A_533 : i32 to vector<4x8192xi32>
    %ge3A_535 = arith.cmpi sge, %bitcast_convert_type3A, %ge3A_534 : vector<4x8192xi32>
    %convert_element_type3A_536 = arith.extui %ge3A_535 : vector<4x8192xi1> to vector<4x8192xi32>
    %reduce_sum3A_537 = vector.shape_cast %convert_element_type3A_536 : vector<4x8192xi32> to vector<1x4x8192xi32>
    %reduce_sum3A_538 = arith.constant dense<0> : vector<1xi32>
    %reduce_sum3A_539 = vector.multi_reduction <add>, %reduce_sum3A_537, %reduce_sum3A_538 [1, 2] : vector<1x4x8192xi32> to vector<1xi32>
    %reduce_sum3A_540 = vector.shape_cast %reduce_sum3A_539 : vector<1xi32> to vector<1x1x1xi32>
    %reduce_sum3A_541 = vector.extract %reduce_sum3A_540[0, 0, 0] : i32 from vector<1x1x1xi32>
    %ge3A_542 = arith.constant 8192 : i32
    %ge3A_543 = arith.cmpi sge, %reduce_sum3A_541, %ge3A_542 : i32
    %convert_element_type3A_544 = arith.extui %ge3A_543 : i1 to i32
    %add3A_545 = arith.addi %add3A_531, %convert_element_type3A_544 : i32
    %or3A_546 = arith.constant 192 : i32
    %or3A_547 = arith.ori %or3A_516, %or3A_546 : i32
    %ge3A_548 = vector.broadcast %or3A_547 : i32 to vector<4x8192xi32>
    %ge3A_549 = arith.cmpi sge, %bitcast_convert_type3A, %ge3A_548 : vector<4x8192xi32>
    %convert_element_type3A_550 = arith.extui %ge3A_549 : vector<4x8192xi1> to vector<4x8192xi32>
    %reduce_sum3A_551 = vector.shape_cast %convert_element_type3A_550 : vector<4x8192xi32> to vector<1x4x8192xi32>
    %reduce_sum3A_552 = arith.constant dense<0> : vector<1xi32>
    %reduce_sum3A_553 = vector.multi_reduction <add>, %reduce_sum3A_551, %reduce_sum3A_552 [1, 2] : vector<1x4x8192xi32> to vector<1xi32>
    %reduce_sum3A_554 = vector.shape_cast %reduce_sum3A_553 : vector<1xi32> to vector<1x1x1xi32>
    %reduce_sum3A_555 = vector.extract %reduce_sum3A_554[0, 0, 0] : i32 from vector<1x1x1xi32>
    %ge3A_556 = arith.constant 8192 : i32
    %ge3A_557 = arith.cmpi sge, %reduce_sum3A_555, %ge3A_556 : i32
    %convert_element_type3A_558 = arith.extui %ge3A_557 : i1 to i32
    %add3A_559 = arith.addi %add3A_545, %convert_element_type3A_558 : i32
    %shift_left3A_560 = arith.constant 6 : i32
    %shift_left3A_561 = arith.shli %add3A_559, %shift_left3A_560 : i32
    %or3A_562 = arith.ori %or3A_516, %shift_left3A_561 : i32
    %or3A_563 = arith.constant 16 : i32
    %or3A_564 = arith.ori %or3A_562, %or3A_563 : i32
    %ge3A_565 = vector.broadcast %or3A_564 : i32 to vector<4x8192xi32>
    %ge3A_566 = arith.cmpi sge, %bitcast_convert_type3A, %ge3A_565 : vector<4x8192xi32>
    %convert_element_type3A_567 = arith.extui %ge3A_566 : vector<4x8192xi1> to vector<4x8192xi32>
    %reduce_sum3A_568 = vector.shape_cast %convert_element_type3A_567 : vector<4x8192xi32> to vector<1x4x8192xi32>
    %reduce_sum3A_569 = arith.constant dense<0> : vector<1xi32>
    %reduce_sum3A_570 = vector.multi_reduction <add>, %reduce_sum3A_568, %reduce_sum3A_569 [1, 2] : vector<1x4x8192xi32> to vector<1xi32>
    %reduce_sum3A_571 = vector.shape_cast %reduce_sum3A_570 : vector<1xi32> to vector<1x1x1xi32>
    %reduce_sum3A_572 = vector.extract %reduce_sum3A_571[0, 0, 0] : i32 from vector<1x1x1xi32>
    %ge3A_573 = arith.constant 8192 : i32
    %ge3A_574 = arith.cmpi sge, %reduce_sum3A_572, %ge3A_573 : i32
    %convert_element_type3A_575 = arith.extui %ge3A_574 : i1 to i32
    %add3A_576 = arith.constant 0 : i32
    %add3A_577 = arith.addi %add3A_576, %convert_element_type3A_575 : i32
    %or3A_578 = arith.constant 32 : i32
    %or3A_579 = arith.ori %or3A_562, %or3A_578 : i32
    %ge3A_580 = vector.broadcast %or3A_579 : i32 to vector<4x8192xi32>
    %ge3A_581 = arith.cmpi sge, %bitcast_convert_type3A, %ge3A_580 : vector<4x8192xi32>
    %convert_element_type3A_582 = arith.extui %ge3A_581 : vector<4x8192xi1> to vector<4x8192xi32>
    %reduce_sum3A_583 = vector.shape_cast %convert_element_type3A_582 : vector<4x8192xi32> to vector<1x4x8192xi32>
    %reduce_sum3A_584 = arith.constant dense<0> : vector<1xi32>
    %reduce_sum3A_585 = vector.multi_reduction <add>, %reduce_sum3A_583, %reduce_sum3A_584 [1, 2] : vector<1x4x8192xi32> to vector<1xi32>
    %reduce_sum3A_586 = vector.shape_cast %reduce_sum3A_585 : vector<1xi32> to vector<1x1x1xi32>
    %reduce_sum3A_587 = vector.extract %reduce_sum3A_586[0, 0, 0] : i32 from vector<1x1x1xi32>
    %ge3A_588 = arith.constant 8192 : i32
    %ge3A_589 = arith.cmpi sge, %reduce_sum3A_587, %ge3A_588 : i32
    %convert_element_type3A_590 = arith.extui %ge3A_589 : i1 to i32
    %add3A_591 = arith.addi %add3A_577, %convert_element_type3A_590 : i32
    %or3A_592 = arith.constant 48 : i32
    %or3A_593 = arith.ori %or3A_562, %or3A_592 : i32
    %ge3A_594 = vector.broadcast %or3A_593 : i32 to vector<4x8192xi32>
    %ge3A_595 = arith.cmpi sge, %bitcast_convert_type3A, %ge3A_594 : vector<4x8192xi32>
    %convert_element_type3A_596 = arith.extui %ge3A_595 : vector<4x8192xi1> to vector<4x8192xi32>
    %reduce_sum3A_597 = vector.shape_cast %convert_element_type3A_596 : vector<4x8192xi32> to vector<1x4x8192xi32>
    %reduce_sum3A_598 = arith.constant dense<0> : vector<1xi32>
    %reduce_sum3A_599 = vector.multi_reduction <add>, %reduce_sum3A_597, %reduce_sum3A_598 [1, 2] : vector<1x4x8192xi32> to vector<1xi32>
    %reduce_sum3A_600 = vector.shape_cast %reduce_sum3A_599 : vector<1xi32> to vector<1x1x1xi32>
    %reduce_sum3A_601 = vector.extract %reduce_sum3A_600[0, 0, 0] : i32 from vector<1x1x1xi32>
    %ge3A_602 = arith.constant 8192 : i32
    %ge3A_603 = arith.cmpi sge, %reduce_sum3A_601, %ge3A_602 : i32
    %convert_element_type3A_604 = arith.extui %ge3A_603 : i1 to i32
    %add3A_605 = arith.addi %add3A_591, %convert_element_type3A_604 : i32
    %shift_left3A_606 = arith.constant 4 : i32
    %shift_left3A_607 = arith.shli %add3A_605, %shift_left3A_606 : i32
    %or3A_608 = arith.ori %or3A_562, %shift_left3A_607 : i32
    %or3A_609 = arith.constant 4 : i32
    %or3A_610 = arith.ori %or3A_608, %or3A_609 : i32
    %ge3A_611 = vector.broadcast %or3A_610 : i32 to vector<4x8192xi32>
    %ge3A_612 = arith.cmpi sge, %bitcast_convert_type3A, %ge3A_611 : vector<4x8192xi32>
    %convert_element_type3A_613 = arith.extui %ge3A_612 : vector<4x8192xi1> to vector<4x8192xi32>
    %reduce_sum3A_614 = vector.shape_cast %convert_element_type3A_613 : vector<4x8192xi32> to vector<1x4x8192xi32>
    %reduce_sum3A_615 = arith.constant dense<0> : vector<1xi32>
    %reduce_sum3A_616 = vector.multi_reduction <add>, %reduce_sum3A_614, %reduce_sum3A_615 [1, 2] : vector<1x4x8192xi32> to vector<1xi32>
    %reduce_sum3A_617 = vector.shape_cast %reduce_sum3A_616 : vector<1xi32> to vector<1x1x1xi32>
    %reduce_sum3A_618 = vector.extract %reduce_sum3A_617[0, 0, 0] : i32 from vector<1x1x1xi32>
    %ge3A_619 = arith.constant 8192 : i32
    %ge3A_620 = arith.cmpi sge, %reduce_sum3A_618, %ge3A_619 : i32
    %convert_element_type3A_621 = arith.extui %ge3A_620 : i1 to i32
    %add3A_622 = arith.constant 0 : i32
    %add3A_623 = arith.addi %add3A_622, %convert_element_type3A_621 : i32
    %or3A_624 = arith.constant 8 : i32
    %or3A_625 = arith.ori %or3A_608, %or3A_624 : i32
    %ge3A_626 = vector.broadcast %or3A_625 : i32 to vector<4x8192xi32>
    %ge3A_627 = arith.cmpi sge, %bitcast_convert_type3A, %ge3A_626 : vector<4x8192xi32>
    %convert_element_type3A_628 = arith.extui %ge3A_627 : vector<4x8192xi1> to vector<4x8192xi32>
    %reduce_sum3A_629 = vector.shape_cast %convert_element_type3A_628 : vector<4x8192xi32> to vector<1x4x8192xi32>
    %reduce_sum3A_630 = arith.constant dense<0> : vector<1xi32>
    %reduce_sum3A_631 = vector.multi_reduction <add>, %reduce_sum3A_629, %reduce_sum3A_630 [1, 2] : vector<1x4x8192xi32> to vector<1xi32>
    %reduce_sum3A_632 = vector.shape_cast %reduce_sum3A_631 : vector<1xi32> to vector<1x1x1xi32>
    %reduce_sum3A_633 = vector.extract %reduce_sum3A_632[0, 0, 0] : i32 from vector<1x1x1xi32>
    %ge3A_634 = arith.constant 8192 : i32
    %ge3A_635 = arith.cmpi sge, %reduce_sum3A_633, %ge3A_634 : i32
    %convert_element_type3A_636 = arith.extui %ge3A_635 : i1 to i32
    %add3A_637 = arith.addi %add3A_623, %convert_element_type3A_636 : i32
    %or3A_638 = arith.constant 12 : i32
    %or3A_639 = arith.ori %or3A_608, %or3A_638 : i32
    %ge3A_640 = vector.broadcast %or3A_639 : i32 to vector<4x8192xi32>
    %ge3A_641 = arith.cmpi sge, %bitcast_convert_type3A, %ge3A_640 : vector<4x8192xi32>
    %convert_element_type3A_642 = arith.extui %ge3A_641 : vector<4x8192xi1> to vector<4x8192xi32>
    %reduce_sum3A_643 = vector.shape_cast %convert_element_type3A_642 : vector<4x8192xi32> to vector<1x4x8192xi32>
    %reduce_sum3A_644 = arith.constant dense<0> : vector<1xi32>
    %reduce_sum3A_645 = vector.multi_reduction <add>, %reduce_sum3A_643, %reduce_sum3A_644 [1, 2] : vector<1x4x8192xi32> to vector<1xi32>
    %reduce_sum3A_646 = vector.shape_cast %reduce_sum3A_645 : vector<1xi32> to vector<1x1x1xi32>
    %reduce_sum3A_647 = vector.extract %reduce_sum3A_646[0, 0, 0] : i32 from vector<1x1x1xi32>
    %ge3A_648 = arith.constant 8192 : i32
    %ge3A_649 = arith.cmpi sge, %reduce_sum3A_647, %ge3A_648 : i32
    %convert_element_type3A_650 = arith.extui %ge3A_649 : i1 to i32
    %add3A_651 = arith.addi %add3A_637, %convert_element_type3A_650 : i32
    %shift_left3A_652 = arith.constant 2 : i32
    %shift_left3A_653 = arith.shli %add3A_651, %shift_left3A_652 : i32
    %or3A_654 = arith.ori %or3A_608, %shift_left3A_653 : i32
    %or3A_655 = arith.constant 1 : i32
    %or3A_656 = arith.ori %or3A_654, %or3A_655 : i32
    %ge3A_657 = vector.broadcast %or3A_656 : i32 to vector<4x8192xi32>
    %ge3A_658 = arith.cmpi sge, %bitcast_convert_type3A, %ge3A_657 : vector<4x8192xi32>
    %convert_element_type3A_659 = arith.extui %ge3A_658 : vector<4x8192xi1> to vector<4x8192xi32>
    %reduce_sum3A_660 = vector.shape_cast %convert_element_type3A_659 : vector<4x8192xi32> to vector<1x4x8192xi32>
    %reduce_sum3A_661 = arith.constant dense<0> : vector<1xi32>
    %reduce_sum3A_662 = vector.multi_reduction <add>, %reduce_sum3A_660, %reduce_sum3A_661 [1, 2] : vector<1x4x8192xi32> to vector<1xi32>
    %reduce_sum3A_663 = vector.shape_cast %reduce_sum3A_662 : vector<1xi32> to vector<1x1x1xi32>
    %reduce_sum3A_664 = vector.extract %reduce_sum3A_663[0, 0, 0] : i32 from vector<1x1x1xi32>
    %ge3A_665 = arith.constant 8192 : i32
    %ge3A_666 = arith.cmpi sge, %reduce_sum3A_664, %ge3A_665 : i32
    %convert_element_type3A_667 = arith.extui %ge3A_666 : i1 to i32
    %add3A_668 = arith.constant 0 : i32
    %add3A_669 = arith.addi %add3A_668, %convert_element_type3A_667 : i32
    %or3A_670 = arith.constant 2 : i32
    %or3A_671 = arith.ori %or3A_654, %or3A_670 : i32
    %ge3A_672 = vector.broadcast %or3A_671 : i32 to vector<4x8192xi32>
    %ge3A_673 = arith.cmpi sge, %bitcast_convert_type3A, %ge3A_672 : vector<4x8192xi32>
    %convert_element_type3A_674 = arith.extui %ge3A_673 : vector<4x8192xi1> to vector<4x8192xi32>
    %reduce_sum3A_675 = vector.shape_cast %convert_element_type3A_674 : vector<4x8192xi32> to vector<1x4x8192xi32>
    %reduce_sum3A_676 = arith.constant dense<0> : vector<1xi32>
    %reduce_sum3A_677 = vector.multi_reduction <add>, %reduce_sum3A_675, %reduce_sum3A_676 [1, 2] : vector<1x4x8192xi32> to vector<1xi32>
    %reduce_sum3A_678 = vector.shape_cast %reduce_sum3A_677 : vector<1xi32> to vector<1x1x1xi32>
    %reduce_sum3A_679 = vector.extract %reduce_sum3A_678[0, 0, 0] : i32 from vector<1x1x1xi32>
    %ge3A_680 = arith.constant 8192 : i32
    %ge3A_681 = arith.cmpi sge, %reduce_sum3A_679, %ge3A_680 : i32
    %convert_element_type3A_682 = arith.extui %ge3A_681 : i1 to i32
    %add3A_683 = arith.addi %add3A_669, %convert_element_type3A_682 : i32
    %or3A_684 = arith.constant 3 : i32
    %or3A_685 = arith.ori %or3A_654, %or3A_684 : i32
    %ge3A_686 = vector.broadcast %or3A_685 : i32 to vector<4x8192xi32>
    %ge3A_687 = arith.cmpi sge, %bitcast_convert_type3A, %ge3A_686 : vector<4x8192xi32>
    %convert_element_type3A_688 = arith.extui %ge3A_687 : vector<4x8192xi1> to vector<4x8192xi32>
    %reduce_sum3A_689 = vector.shape_cast %convert_element_type3A_688 : vector<4x8192xi32> to vector<1x4x8192xi32>
    %reduce_sum3A_690 = arith.constant dense<0> : vector<1xi32>
    %reduce_sum3A_691 = vector.multi_reduction <add>, %reduce_sum3A_689, %reduce_sum3A_690 [1, 2] : vector<1x4x8192xi32> to vector<1xi32>
    %reduce_sum3A_692 = vector.shape_cast %reduce_sum3A_691 : vector<1xi32> to vector<1x1x1xi32>
    %reduce_sum3A_693 = vector.extract %reduce_sum3A_692[0, 0, 0] : i32 from vector<1x1x1xi32>
    %ge3A_694 = arith.constant 8192 : i32
    %ge3A_695 = arith.cmpi sge, %reduce_sum3A_693, %ge3A_694 : i32
    %convert_element_type3A_696 = arith.extui %ge3A_695 : i1 to i32
    %add3A_697 = arith.addi %add3A_683, %convert_element_type3A_696 : i32
    %shift_left3A_698 = arith.constant 0 : i32
    %shift_left3A_699 = arith.shli %add3A_697, %shift_left3A_698 : i32
    %or3A_700 = arith.ori %or3A_654, %shift_left3A_699 : i32
    %ge3A_701 = vector.broadcast %or3A_700 : i32 to vector<4x8192xi32>
    %ge3A_702 = arith.cmpi sge, %bitcast_convert_type3A, %ge3A_701 : vector<4x8192xi32>
    %swap3A_703 = arith.constant 0 : index
    %swap3A_704 = arith.constant 0 : index
    %swap3A_705 = vector.load %arg3[%swap3A_703, %swap3A_704] : memref<4x8192xi32, #tpu.memory_space<vmem>>, vector<4x8192xi32>
    %swap3A_706 = arith.extui %ge3A_702 : vector<4x8192xi1> to vector<4x8192xi32>
    %swap3A_707 = arith.constant dense<0> : vector<4x8192xi32>
    %swap3A_708 = arith.cmpi ne, %swap3A_705, %swap3A_707 : vector<4x8192xi32>
    tpu.vector_store %arg3[%swap3A_703, %swap3A_704], %swap3A_706 {strides = array<i32>} : memref<4x8192xi32, #tpu.memory_space<vmem>>, vector<4x8192xi32>,
    return
  }
}

</mosaic_0001>

<sc_bundles>
// kernel: kernel.5.cloned.1.call-start
scs
__scs_entry_jumppad:
0x0: {  	(pc) =	sbr.rel $0x88, $3  }
0x1: {  	(tag) =	ssettag $0x0;
	lr =	simm.s32 $0x1  }
0x2: {  	[smem:$0x3F9D] =	sst lr;
	_ =	strace $0xD0000000  }
0x3: {  	_ = 	snop  }
0x4: {  	_ = 	snop  }
0x5: {  	_ = 	snop  }
0x6: {  	_ = 	snop  }
0x7: {  	_ = 	snop  }
__scs_overlays_trampoline_lowered:
0x8: {  	[smem:$0x3FAC] =	sst s0  }
0x9: {  	[smem:$0x3FAD] =	sst s1  }
0xa: {  	[smem:$0x3FAE] =	sst s2  }
0xb: {  	[smem:$0x3FAF] =	sst s3  }
0xc: {  	[smem:$0x3FB0] =	sst s4  }
0xd: {  	[smem:$0x3FB1] =	sst s5  }
0xe: {  	[smem:$0x3FB2] =	sst s6  }
0xf: {  	[smem:$0x3FB3] =	sst s7  }
0x10: {  	[smem:$0x3FB4] =	sst s8  }
0x11: {  	[smem:$0x3FB5] =	sst s9;
	s0 =	simm.s32 @!p0 $0x0  }
0x12: {  	s1 =	sld [smem:$0x3F9B];
	s0 =	simm.s32 @p0 $0x1  }
0x13: {  	[smem:$0x3FB6] =	sst s0;
	s0 =	simm.s32 @!p1 $0x0  }
0x14: {  	s2 =	sld [smem:$0x3F9A];
	s0 =	simm.s32 @p1 $0x1  }
0x15: {  	[smem:$0x3FB7] =	sst s0;
	s0 =	simm.s32 @!p2 $0x0  }
0x16: {  	s3 =	sld [smem:$0x3FDB];
	s0 =	simm.s32 @p2 $0x1  }
0x17: {  	s4 =	simm.s32 $0x1BF5;
	[smem:$0x3FB9] =	sst s0  }
0x18: {  	s0 =	sld [smem:$0x3F9C];
	_ =	swait.ge [sflag:s4], $0x0  }
0x19: {  	s7 =	sld [smem:$0x3F9D]  }
0x1a: {  	s8 =	sadd.s32 $0xFFFFE003, lr  }
0x1b: {  	s9 =	sadd.s32 $0xFFFFFEF7, lr;
	s5 =	simm.s32 $0xFFFFFFFF;
	p2 =	slt.u32 s8, $0xFFFFF086  }
0x1c: {  	p1 =	slt.u32 s9, $0xF7A;
	s5 =	simm.s32 @!p2 $0x0  }
0x1d: {  	s5 =	simm.s32 @p1 $0x1;
	p0 =	seq.s32 s7, s2  }
0x1e: {  	s7 =	smul.u32 @!p0 $0xF7A, s2;
	p2 =	seq.s32 @!p0 s5, $0x0  }
0x1f: {  	s9 =	smul.u32 $0xF7A, s1;
	s8 =	simm.s32 @!p0 $0x1BF5;
	p2 =	por !p2, p0  }
0x20: {  	[sflag:s8] =	ssyncset.s32 @!p0 $0xFFFFF086;
	s6 =	sadd.s32 @!p0 s3, s7;
	s7 =	simm.s32 @!p0 $0x108  }
0x21: {  	s3 =	sadd.s32 s3, s9;
	s6 =	sadd.s32 @!p0 $0x88, s6;
	s7 =	simm.s32 @p2 $0x1082  }
0x22: {  	[simem:s7], [sflag:s8] =	dma.local @!p0 [hbm:s6], $0xF7A  }
0x23: {  	s9 =	sor.u32 $0xD0000000, s2;
	s6 =	simm.s32 $0x108;
	_ =	swait.ge @!p0 [sflag:s8], $0x0  }
0x24: {  	s3 =	sadd.s32 $0x88, s3;
	s6 =	simm.s32 @!p1 $0x1082;
	[sflag:s4] =	ssyncset.s32 $0xFFFFF086  }
0x25: {  	[simem:s6], [sflag:s4] =	dma.local [hbm:s3], $0xF7A  }
0x26: {  	[smem:$0x3F9D] =	sst s1;
	(tag) =	ssettag s2;
	_ =	strace s9  }
0x27: {  	s1 =	sld [smem:$0x3FAD]  }
0x28: {  	s2 =	sld [smem:$0x3FAE]  }
0x29: {  	s4 =	sld [smem:$0x3FB0]  }
0x2a: {  	p0 =	seq.s32 s5, $0x0;
	s5 =	sld [smem:$0x3FB1]  }
0x2b: {  	s6 =	sld [smem:$0x3FB2]  }
0x2c: {  	s7 =	sld [smem:$0x3FB3]  }
0x2d: {  	s3 =	simm.s32 $0x108;
	s8 =	sld [smem:$0x3FB4]  }
0x2e: {  	s3 =	simm.s32 @!p0 $0x1082;
	s9 =	sld [smem:$0x3FB5]  }
0x2f: {  	lr =	sadd.s32 s0, s3;
	s0 =	sld [smem:$0x3FAC]  }
0x30: {  	s3 =	sld [smem:$0x3FAF]  }
0x31: {  	[smem:$0x3FB8] =	sst s10  }
0x32: {  	s10 =	sld [smem:$0x3FB6];
	_ =	sdelay $0x3  }
0x33: {  	p0 =	seq.s32 s10, $0x1;
	s10 =	sld [smem:$0x3FB8];
	_ =	sdelay $0x3  }
0x34: {  	[smem:$0x3FB8] =	sst s10  }
0x35: {  	s10 =	sld [smem:$0x3FB7];
	_ =	sdelay $0x3  }
0x36: {  	p1 =	seq.s32 s10, $0x1;
	s10 =	sld [smem:$0x3FB8];
	_ =	sdelay $0x3  }
0x37: {  	[smem:$0x3FB8] =	sst s10  }
0x38: {  	s10 =	sld [smem:$0x3FB9]  }
0x39: {  	_ = 	snop;
	(pc) =	sbr.ind lr, $3  }
0x3a: {  	_ = 	snop  }
0x3b: {  	_ = 	snop  }
0x3c: {  	p2 =	seq.s32 s10, $0x1;
	s10 =	sld [smem:$0x3FB8]  }
0x3d: {  	_ =	shalt  }
0x3e: {  	_ =	shalt  }
0x3f: {  	_ =	shalt  }
0x40: {  	_ =	shalt  }
0x41: {  	_ =	shalt  }
0x42: {  	_ =	shalt  }
0x43: {  	_ =	shalt  }
0x44: {  	_ =	shalt  }
0x45: {  	_ =	shalt  }
0x46: {  	_ =	shalt  }
0x47: {  	_ =	shalt  }
0x48: {  	_ =	shalt  }
0x49: {  	_ =	shalt  }
0x4a: {  	_ =	shalt  }
0x4b: {  	_ =	shalt  }
0x4c: {  	_ =	shalt  }
0x4d: {  	_ =	shalt  }
0x4e: {  	_ =	shalt  }
0x4f: {  	_ =	shalt  }
0x50: {  	_ =	shalt  }
0x51: {  	_ =	shalt  }
0x52: {  	_ =	shalt  }
0x53: {  	_ =	shalt  }
0x54: {  	_ =	shalt  }
0x55: {  	_ =	shalt  }
0x56: {  	_ =	shalt  }
0x57: {  	_ =	shalt  }
0x58: {  	_ =	shalt  }
0x59: {  	_ =	shalt  }
0x5a: {  	_ =	shalt  }
0x5b: {  	_ =	shalt  }
0x5c: {  	_ =	shalt  }
0x5d: {  	_ =	shalt  }
0x5e: {  	_ =	shalt  }
0x5f: {  	_ =	shalt  }
0x60: {  	_ =	shalt  }
0x61: {  	_ =	shalt  }
0x62: {  	_ =	shalt  }
0x63: {  	_ =	shalt  }
0x64: {  	_ =	shalt  }
0x65: {  	_ =	shalt  }
0x66: {  	_ =	shalt  }
0x67: {  	_ =	shalt  }
0x68: {  	_ =	shalt  }
0x69: {  	_ =	shalt  }
0x6a: {  	_ =	shalt  }
0x6b: {  	_ =	shalt  }
0x6c: {  	_ =	shalt  }
0x6d: {  	_ =	shalt  }
0x6e: {  	_ =	shalt  }
0x6f: {  	_ =	shalt  }
0x70: {  	_ =	shalt  }
0x71: {  	_ =	shalt  }
0x72: {  	_ =	shalt  }
0x73: {  	_ =	shalt  }
0x74: {  	_ =	shalt  }
0x75: {  	_ =	shalt  }
0x76: {  	_ =	shalt  }
0x77: {  	_ =	shalt  }
0x78: {  	_ =	shalt  }
0x79: {  	_ =	shalt  }
0x7a: {  	_ =	shalt  }
0x7b: {  	_ =	shalt  }
0x7c: {  	_ =	shalt  }
0x7d: {  	_ =	shalt  }
0x7e: {  	_ =	shalt  }
0x7f: {  	_ =	shalt  }
0x80: {  	_ =	shalt  }
0x81: {  	_ =	shalt  }
0x82: {  	_ =	shalt  }
0x83: {  	_ =	shalt  }
0x84: {  	_ =	shalt  }
0x85: {  	_ =	shalt  }
0x86: {  	_ =	shalt  }
0x87: {  	_ =	shalt  }
.Lfunc_end0:
.L_simem_size_0:
called_computation_lowered:
.L_overlay_start_0:
0x88: {  	s2 =	sld [smem:$0x3FD9]  }
0x89: {  	s3 =	sld [smem:$0x3FFE];
	_ =	sdelay $0x1  }
0x8a: {  	s1 =	srdreg.scid  }
0x8b: {  	s0 =	sand.u32 $0x1, s1  }
0x8c: {  	s14 =	sshll.u32 s0, $0xA;
	s2 =	sadd.s32 s3, s2  }
0x8d: {  	s2 =	sadd.s32 s2, s14  }
0x8e: {  	[smem:$0x3FC4] =	sst s2  }
0x8f: {  	_ = 	snop  }
0x90: {  	s2 =	sld [smem:$0x3FD0];
	_ =	sdelay $0x2  }
0x91: {  	s15 =	simm.s32 $0xA;
	s4 =	simm.s32 $0x10  }
0x92: {  	[smem:s4], [sflag:s15] =	dma.local [hbm:s2], $0x1  }
0x93: {  	_ =	swait.eq [sflag:s15], $0x1  }
0x94: {  	[sflag:s15] =	ssyncset.done $0x0  }
0x95: {  	[sflag:s15] =	ssyncadd.s32 $0xFFFFFFFF  }
0x96: {  	s16 =	sld [smem:$0x10];
	(tm) =	ssettm $0x1  }
0x97: {  	s17 =	sld [smem:$0x3FFB];
	_ =	sdelay $0x3  }
0x98: {  	_ =	strace s17  }
0x99: {  	s3 =	sld [smem:$0x3FFC];
	_ =	sdelay $0x3  }
0x9a: {  	_ =	strace s3  }
0x9b: {  	s3 =	sld [smem:$0x3FFD];
	_ =	sdelay $0x3  }
0x9c: {  	_ =	strace s3  }
0x9d: {  	_ =	strace $0x8FFFFFFF  }
0x9e: {  	s18 =	sld [smem:$0x3FDB];
	_ =	sdelay $0x1  }
0x9f: {  	s19 =	simm.s32 $_scs_section_size  }
0xa0: {  	s5 =	simm.s32 $_size__tile_overlayer_lowered;
	s6 =	simm.s32 $_tile_overlayer_lowered  }
0xa1: {  	s22 =	simm.s32 $0x1BFF;
	s21 =	sshll.u32 s6, $0x1;
	s3 =	sadd.s32 s19, s18  }
0xa2: {  	s7 =	simm.s32 $0x0;
	s20 =	sshll.u32 s5, $0x1;
	s5 =	sadd.s32 s21, s3  }
0xa3: {  	[timem:s7], [sflag:s22] =	dma.local [hbm:s5], s20  }
0xa4: {  	_ =	swait.ge [sflag:s22], s20  }
0xa5: {  	s4 =	ssub.s32 $0x0, s20;
	[sflag:s22] =	ssyncset.done $0x0  }
0xa6: {  	[sflag:s22] =	ssyncadd.s32 s4;
	_ =	sdelay $0x1  }
0xa7: {  	s23 =	simm.s32 $0x1B8B  }
0xa8: {  	_ =	swait.ge [sflag:s23], $0x1  }
0xa9: {  	[sflag:s23] =	ssyncset.done $0x0  }
0xaa: {  	s25 =	simm.s32 $0x1B8E;
	s24 =	sld [smem:$0x3FFE];
	[sflag:s23] =	ssyncadd.s32 $0xFFFFFFFF  }
0xab: {  	s26 =	simm.s32 $execute0_lowered;
	[smem:$0x3FD2] =	sst s25  }
0xac: {  	s5 =	sshll.u32 s26, $0x1;
	_ =	strace $0x80000046;
	[dreg:$0x1] =	wrdreg $0xFFFFFFFF  }
0xad: {  	s28 =	simm.s32 $_size_execute0_lowered;
	s3 =	sadd.s32 s3, s5;
	[dreg:$0x0] =	wrdreg $0x0  }
0xae: {  	s5 =	sshll.u32 s28, $0x1;
	[dreg:$0x2] =	wrdreg s3  }
0xaf: {  	[dreg:$0x3] =	wrdreg s5  }
0xb0: {  	[dreg:$0x4] =	wrdreg $0xC0  }
0xb1: {  	_ =	task [dreg:s7], $0x5FFFF  }
0xb2: {  	[dreg:$0x1] =	wrdreg $0xFFFFFFFF  }
0xb3: {  	[dreg:$0x0] =	wrdreg $0x60  }
0xb4: {  	[dreg:$0x2] =	wrdreg s24  }
0xb5: {  	[dreg:$0x3] =	wrdreg s16  }
0xb6: {  	[dreg:$0x4] =	wrdreg $0x9  }
0xb7: {  	_ =	task.clear_ibuf [dreg:s7], $0x5FFFF;
	_ =	strace $0x90000046  }
0xb8: {  	s29 =	simm.s32 $0x9;
	_ =	strace $0x80000048  }
0xb9: {  	_ =	swait.ge [sflag:s29], $0x1  }
0xba: {  	[sflag:s29] =	ssyncadd.s32 $0xFFFFFFFF  }
0xbb: {  	_ =	strace $0x90000048  }
0xbc: {  	_ =	sfence  }
0xbd: {  	s30 =	sld [smem:$0x0];
	_ =	sdelay $0x2  }
0xbe: {  	s31 =	sshll.u32 s1, $0xD;
	s1 =	sshrl.u32 s1, $0x2  }
0xbf: {  	s3 =	sand.u32 $0x4000, s31;
	s1 =	sadd.s32 s1, s30  }
0xc0: {  	s0 =	sor.u32 s3, s0;
	s1 =	sshll.u32 s1, $0x11  }
0xc1: {  	s0 =	sor.u32 s1, s0  }
0xc2: {  	s0 =	sadd.s32 $0x8F2B, s0  }
0xc3: {  	[sflag:s0] =	ssyncadd.remote.s32 $0x1  }
0xc4: {  	_ =	sfence.sel $0xFFFF  }
0xc5: {  	[dreg:$0x0] =	wrdreg $0xFFFFFFFF;
	(pc) =	sbr.abs _section_cstart, $3  }
0xc6: {  	[dreg:$0x1] =	wrdreg $0xFFFFFFFF  }
0xc7: {  	_ =	task.clear_ibuf [dreg:s7], $0x2FFFF;
	_ =	strace $0x9FFFFFFF  }
0xc8: {  	(tm) =	ssettm $0x7FFFFFFF  }
0xc9: {  	_ =	shalt  }
tec
execute0_lowered:
.L_overlay_start_1:
0x0: {  	(tag) =	ssettag $0x1  }
0x1: {  	s22 =	rddreg [dreg:$0x0]  }
0x2: {  	s3 =	rddreg [dreg:$0x1];
	s2 =	srdreg.scid  }
0x3: {  	s0 =	rddreg [dreg:$0x2];
	s1 =	stileid.u32;
	s23 =	sand.u32 $0x1, s2  }
0x4: {  	s2 =	simm.s32 $0x0;
	s4 =	sshll.u32 s1, $0x8;
	s5 =	sshll.u32 s23, $0x7  }
0x5: {  	[smem:$0x7FF] =	sst s2;
	s24 =	sor.u32 s5, s4  }
0x6: {  	_ =	strace $0x80000047;
	s4 =	sadd.s32 s3, s24;
	s3 =	simm.s32 $0x2  }
0x7: {  	[tilespmem:s2], [sflag:$0x2] =	stream.linear.gather [hbm4b:s4+s2], $0x400, $0x38;
	[tilespmem:$0x800] =	vst v63  }
0x8: {  	_ =	swait.ge [sflag:s3], $0x400  }
0x9: {  	s6 =	simm.s32 $0x80;
	[sflag:s3] =	ssyncset.done $0x0  }
0xa: {  	s7 =	simm.s32 $0x400;
	s5 =	sadd.s32 $0xA00, s22;
	[sflag:s3] =	ssyncadd.s32 $0xFFFFFC00  }
0xb: {  	[tilespmem:s7], [sflag:$0x1] =	stream.indirect.gather [hbm4b:s5+s6], $0x1, s2, s6, $0xb8;
	[tilespmem:$0x800] =	vst v63  }
0xc: {  	s8 =	simm.s32 $0x480  }
0xd: {  	[tilespmem:s8], [sflag:$0x1] =	stream.indirect.gather [hbm4b:s5+s6], $0x1, s6, s6, $0xb8;
	[tilespmem:$0x800] =	vst v63  }
0xe: {  	s9 =	simm.s32 $0x100;
	s10 =	simm.s32 $0x500  }
0xf: {  	[tilespmem:s10], [sflag:$0x1] =	stream.indirect.gather [hbm4b:s5+s6], $0x1, s9, s6, $0xb8;
	[tilespmem:$0x800] =	vst v63  }
0x10: {  	s11 =	simm.s32 $0x180;
	s12 =	simm.s32 $0x580  }
0x11: {  	[tilespmem:s12], [sflag:$0x1] =	stream.indirect.gather [hbm4b:s5+s6], $0x1, s11, s6, $0xb8;
	[tilespmem:$0x800] =	vst v63  }
0x12: {  	s13 =	simm.s32 $0x200;
	s14 =	simm.s32 $0x600  }
0x13: {  	[tilespmem:s14], [sflag:$0x1] =	stream.indirect.gather [hbm4b:s5+s6], $0x1, s13, s6, $0xb8;
	[tilespmem:$0x800] =	vst v63  }
0x14: {  	s15 =	simm.s32 $0x280;
	s16 =	simm.s32 $0x680  }
0x15: {  	[tilespmem:s16], [sflag:$0x1] =	stream.indirect.gather [hbm4b:s5+s6], $0x1, s15, s6, $0xb8;
	[tilespmem:$0x800] =	vst v63  }
0x16: {  	s17 =	simm.s32 $0x300;
	s18 =	simm.s32 $0x700  }
0x17: {  	[tilespmem:s18], [sflag:$0x1] =	stream.indirect.gather [hbm4b:s5+s6], $0x1, s17, s6, $0xb8;
	[tilespmem:$0x800] =	vst v63  }
0x18: {  	s19 =	simm.s32 $0x380;
	s20 =	simm.s32 $0x780;
	s21 =	simm.s32 $0x1  }
0x19: {  	[tilespmem:s20], [sflag:$0x1] =	stream.indirect.gather [hbm4b:s5+s6], $0x1, s19, s6, $0xb8;
	[tilespmem:$0x800] =	vst v63  }
0x1a: {  	_ =	swait.ge [sflag:s21], $0x80  }
0x1b: {  	[sflag:s21] =	ssyncset.done $0x0  }
0x1c: {  	[sflag:s21] =	ssyncadd.s32 $0xFFFFFF80  }
0x1d: {  	_ =	swait.ge [sflag:s21], $0x80  }
0x1e: {  	[sflag:s21] =	ssyncset.done $0x0  }
0x1f: {  	[sflag:s21] =	ssyncadd.s32 $0xFFFFFF80  }
0x20: {  	_ =	swait.ge [sflag:s21], $0x80  }
0x21: {  	[sflag:s21] =	ssyncset.done $0x0  }
0x22: {  	[sflag:s21] =	ssyncadd.s32 $0xFFFFFF80  }
0x23: {  	_ =	swait.ge [sflag:s21], $0x80  }
0x24: {  	[sflag:s21] =	ssyncset.done $0x0  }
0x25: {  	[sflag:s21] =	ssyncadd.s32 $0xFFFFFF80  }
0x26: {  	_ =	swait.ge [sflag:s21], $0x80  }
0x27: {  	[sflag:s21] =	ssyncset.done $0x0  }
0x28: {  	[sflag:s21] =	ssyncadd.s32 $0xFFFFFF80  }
0x29: {  	_ =	swait.ge [sflag:s21], $0x80  }
0x2a: {  	[sflag:s21] =	ssyncset.done $0x0  }
0x2b: {  	s23 =	ssub.s32 $0x2, s23;
	[sflag:s21] =	ssyncadd.s32 $0xFFFFFF80  }
0x2c: {  	s25 =	sshrl.u32 s23, $0x1;
	_ =	swait.ge [sflag:s21], $0x80  }
0x2d: {  	s23 =	ssub.s32 s23, s25;
	[sflag:s21] =	ssyncset.done $0x0  }
0x2e: {  	s23 =	smax.u32 s23, $0x1;
	[sflag:s21] =	ssyncadd.s32 $0xFFFFFF80  }
0x2f: {  	p0 =	sne.s32 s23, $0x1;
	_ =	swait.ge [sflag:s21], $0x80  }
.Ltmp0:
0x30: {  	s22 =	sadd.s32 s24, s22;
	[sflag:s21] =	ssyncset.done $0x0;
	(pc) =	sbr.rel @!p0 .LBB2_2-.Ltmp0, $4  }
0x31: {  	s22 =	sadd.s32 $0x3C00, s22;
	[sflag:s21] =	ssyncadd.s32 $0xFFFFFF80  }
0x32: {  	[hbm4b:s22+s2] =	stream.linear.scatter [tilespmem:s7], [sflag:$0x2], $0x400, $0x38;
	[tilespmem:$0x800] =	vst v63  }
0x33: {  	_ =	swait.ge [sflag:s3], $0x400  }
0x34: {  	s23 =	sadd.s32 $0xFFFFFFFF, s23;
	[sflag:s3] =	ssyncset.done $0x0  }
.LBB2_1:
0x35: {  	p0 =	sne.s32 s23, $0x1;
	s23 =	sadd.s32 $0xFFFFFFFF, s23;
	[sflag:s3] =	ssyncadd.s32 $0xFFFFFC00  }
0x36: {  	[tilespmem:s2], [sflag:$0x2] =	stream.linear.gather [hbm4b:s4+s2], $0x400, $0x38;
	[tilespmem:$0x800] =	vst v63  }
0x37: {  	_ =	swait.ge [sflag:s3], $0x400  }
0x38: {  	[sflag:s3] =	ssyncset.done $0x0  }
0x39: {  	[sflag:s3] =	ssyncadd.s32 $0xFFFFFC00  }
0x3a: {  	[tilespmem:s7], [sflag:$0x1] =	stream.indirect.gather [hbm4b:s5+s6], $0x1, s2, s6, $0xb8;
	[tilespmem:$0x800] =	vst v63  }
0x3b: {  	_ = 	snop  }
0x3c: {  	[tilespmem:s8], [sflag:$0x1] =	stream.indirect.gather [hbm4b:s5+s6], $0x1, s6, s6, $0xb8;
	[tilespmem:$0x800] =	vst v63  }
0x3d: {  	_ = 	snop  }
0x3e: {  	[tilespmem:s10], [sflag:$0x1] =	stream.indirect.gather [hbm4b:s5+s6], $0x1, s9, s6, $0xb8;
	[tilespmem:$0x800] =	vst v63  }
0x3f: {  	_ = 	snop  }
0x40: {  	[tilespmem:s12], [sflag:$0x1] =	stream.indirect.gather [hbm4b:s5+s6], $0x1, s11, s6, $0xb8;
	[tilespmem:$0x800] =	vst v63  }
0x41: {  	_ = 	snop  }
0x42: {  	[tilespmem:s14], [sflag:$0x1] =	stream.indirect.gather [hbm4b:s5+s6], $0x1, s13, s6, $0xb8;
	[tilespmem:$0x800] =	vst v63  }
0x43: {  	_ = 	snop  }
0x44: {  	[tilespmem:s16], [sflag:$0x1] =	stream.indirect.gather [hbm4b:s5+s6], $0x1, s15, s6, $0xb8;
	[tilespmem:$0x800] =	vst v63  }
0x45: {  	_ = 	snop  }
0x46: {  	[tilespmem:s18], [sflag:$0x1] =	stream.indirect.gather [hbm4b:s5+s6], $0x1, s17, s6, $0xb8;
	[tilespmem:$0x800] =	vst v63  }
0x47: {  	_ = 	snop  }
0x48: {  	[tilespmem:s20], [sflag:$0x1] =	stream.indirect.gather [hbm4b:s5+s6], $0x1, s19, s6, $0xb8;
	[tilespmem:$0x800] =	vst v63  }
0x49: {  	_ =	swait.ge [sflag:s21], $0x80  }
0x4a: {  	[sflag:s21] =	ssyncset.done $0x0  }
0x4b: {  	[sflag:s21] =	ssyncadd.s32 $0xFFFFFF80  }
0x4c: {  	_ =	swait.ge [sflag:s21], $0x80  }
0x4d: {  	[sflag:s21] =	ssyncset.done $0x0  }
0x4e: {  	[sflag:s21] =	ssyncadd.s32 $0xFFFFFF80  }
0x4f: {  	_ =	swait.ge [sflag:s21], $0x80  }
0x50: {  	[sflag:s21] =	ssyncset.done $0x0  }
0x51: {  	[sflag:s21] =	ssyncadd.s32 $0xFFFFFF80  }
0x52: {  	_ =	swait.ge [sflag:s21], $0x80  }
0x53: {  	[sflag:s21] =	ssyncset.done $0x0  }
0x54: {  	[sflag:s21] =	ssyncadd.s32 $0xFFFFFF80  }
0x55: {  	_ =	swait.ge [sflag:s21], $0x80  }
0x56: {  	[sflag:s21] =	ssyncset.done $0x0  }
0x57: {  	[sflag:s21] =	ssyncadd.s32 $0xFFFFFF80  }
0x58: {  	_ =	swait.ge [sflag:s21], $0x80  }
0x59: {  	[sflag:s21] =	ssyncset.done $0x0  }
0x5a: {  	[sflag:s21] =	ssyncadd.s32 $0xFFFFFF80  }
0x5b: {  	_ =	swait.ge [sflag:s21], $0x80  }
0x5c: {  	[sflag:s21] =	ssyncset.done $0x0  }
0x5d: {  	[sflag:s21] =	ssyncadd.s32 $0xFFFFFF80  }
0x5e: {  	_ =	swait.ge [sflag:s21], $0x80  }
.Ltmp1:
0x5f: {  	[sflag:s21] =	ssyncset.done $0x0;
	(pc) =	sbr.rel @p0 .LBB2_1-.Ltmp1, $4  }
0x60: {  	[sflag:s21] =	ssyncadd.s32 $0xFFFFFF80  }
0x61: {  	[hbm4b:s22+s2] =	stream.linear.scatter [tilespmem:s7], [sflag:$0x2], $0x400, $0x38;
	[tilespmem:$0x800] =	vst v63  }
0x62: {  	_ =	swait.ge [sflag:s3], $0x400  }
0x63: {  	[sflag:s3] =	ssyncset.done $0x0  }
.LBB2_2:
0x64: {  	[sflag:s3] =	ssyncadd.s32 $0xFFFFFC00  }
0x65: {  	_ =	sfence.sel $0x180000  }
0x66: {  	[bflag:$0x0] =	sbarrier.arrive $0xFFFF  }
0x67: {  	p0 =	sne.s32 s1, $0x0;
	_ =	strace $0x90000047  }
0x68: {  	s0 =	sadd.s32 @!p0 $0x100000, s0;
	[bflag:$0x2] =	sbarrier.arrive $0xFFFF  }
0x69: {  	[sflag:s0] =	ssyncadd.tile.s32 @!p0 $0x1;
	_ =	shalt  }
.Lfunc_end2:
_tile_overlayer_lowered:
.L_overlay_start_2:
0x6a: {  	(tag) =	ssettag $0x2  }
0x6b: {  	s0 =	rddreg [dreg:$0x0];
	s2 =	stileid.u32  }
0x6c: {  	s1 =	rddreg [dreg:$0x1];
	p0 =	sne.s32 s2, $0x0  }
0x6d: {  	s3 =	rddreg [dreg:$0x2];
	[bflag:$0x3] =	sbarrier.arrive $0xFFFF;
	s2 =	simm.s32 @!p0 $0x1C02  }
0x6e: {  	[timem:s3], [sflag:s2] =	dma.local @!p0 [hbm:s0], s1  }
0x6f: {  	s0 =	simm.s32 @!p0 $0x2  }
0x70: {  	_ =	swait.ge @!p0 [sflag:s0], s1  }
0x71: {  	s1 =	ssub.s32 @!p0 $0x0, s1;
	[sflag:s0] =	ssyncset.done @!p0 $0x0  }
0x72: {  	[sflag:s0] =	ssyncadd.s32 @!p0 s1  }
0x73: {  	[bflag:$0x3] =	sbarrier.arrive $0xFFFF  }
0x74: {  	_ =	shalt  }

</sc_bundles>
